<compile_context>
chip_gen: v7x
topology: tpu7x:2x2x1
jax: 0.10.2.dev20260603
libtpu: 0.0.44.dev20260713+nightly
codegen_flags: <defaults>
</compile_context>

<pallas_src>
import functools

import jax
import jax.numpy as jnp
from jax import lax
from jax.experimental import pallas as pl
from jax.experimental.pallas import tpu as pltpu
from jax.experimental.pallas import tpu_sc as plsc


NC = 2
NS = 16
NW = NC * NS
STAGES = (16384,)
CHUNK = 128


def _sc_gather_pairs(table, p_idx, q_idx, stage_base, n_pairs, emb_d):
    P = n_pairs // NW
    n_half = P // CHUNK
    n_ch = 2 * n_half
    mesh = plsc.VectorSubcoreMesh(core_axis_name="c", subcore_axis_name="s")

    @functools.partial(
        pl.kernel,
        mesh=mesh,
        out_type=jax.ShapeDtypeStruct((2 * n_pairs, emb_d), jnp.float32),
        scratch_types=[
            pltpu.VMEM((2 * P,), jnp.int32),
            pltpu.VMEM((CHUNK, emb_d), jnp.float32),
            pltpu.VMEM((CHUNK, emb_d), jnp.float32),
            pltpu.VMEM((CHUNK, emb_d), jnp.float32),
            pltpu.SemaphoreType.DMA,
            pltpu.SemaphoreType.DMA,
            pltpu.SemaphoreType.DMA,
            pltpu.SemaphoreType.DMA,
            pltpu.SemaphoreType.DMA,
            pltpu.SemaphoreType.DMA,
        ],
    )
    def gather_kernel(table_hbm, p_hbm, q_hbm, out_hbm, idx_v,
                      rows_a, rows_b, rows_c, ga, gb, gc, wa, wb, wc):
        wid = lax.axis_index("s") * NC + lax.axis_index("c")
        src_off = stage_base + wid * P
        pltpu.sync_copy(p_hbm.at[pl.ds(src_off, P)], idx_v.at[pl.ds(0, P)])
        pltpu.sync_copy(q_hbm.at[pl.ds(src_off, P)], idx_v.at[pl.ds(P, P)])

        bufs = (rows_a, rows_b, rows_c)
        gsems = (ga, gb, gc)
        wsems = (wa, wb, wc)

        def out_off(c):
            is_q = int(c >= n_half)
            return wid * P + (c - n_half * is_q) * CHUNK + n_pairs * is_q

        def g_src(c):
            return table_hbm.at[idx_v.at[pl.ds(c * CHUNK, CHUNK)]]

        def w_dst(c):
            return out_hbm.at[pl.ds(out_off(c), CHUNK)]

        for c in range(min(3, n_ch)):
            pltpu.async_copy(g_src(c), bufs[c], gsems[c])
        for c in range(n_ch):
            i = c % 3
            pltpu.make_async_copy(g_src(c), bufs[i], gsems[i]).wait()
            pltpu.async_copy(bufs[i], w_dst(c), wsems[i])
            if c + 3 < n_ch:
                pltpu.make_async_copy(bufs[i], w_dst(c), wsems[i]).wait()
                pltpu.async_copy(g_src(c + 3), bufs[i], gsems[i])
        for c in range(max(0, n_ch - 3), n_ch):
            i = c % 3
            pltpu.make_async_copy(bufs[i], w_dst(c), wsems[i]).wait()

    return gather_kernel(table, p_idx, q_idx)


def _mlp_body(ei_ref, ej_ref, w1_ref, b1_ref, w2_ref, b2_ref, o_ref):
    d = ei_ref[...] - ej_ref[...]
    d = (d * d).astype(jnp.bfloat16)
    h = jnp.dot(d, w1_ref[...], preferred_element_type=jnp.float32)
    h = jnp.maximum(h + b1_ref[...], 0.0).astype(jnp.bfloat16)
    pred = jnp.dot(h, w2_ref[...], preferred_element_type=jnp.float32) + b2_ref[...]
    o_ref[...] = pred.reshape(1, 1, pred.shape[0])


def _mlp(gathered, W1b, b1_2d, W2b, b2_2d, n_pairs, emb_d, hid):
    BLK = 4096 if n_pairs % 4096 == 0 else 2048
    nb = n_pairs // BLK
    return pl.pallas_call(
        _mlp_body,
        grid=(nb,),
        in_specs=[
            pl.BlockSpec((BLK, emb_d), lambda i: (i, 0)),
            pl.BlockSpec((BLK, emb_d), lambda i, _nb=nb: (i + _nb, 0)),
            pl.BlockSpec((emb_d, hid), lambda i: (0, 0)),
            pl.BlockSpec((1, hid), lambda i: (0, 0)),
            pl.BlockSpec((hid, 1), lambda i: (0, 0)),
            pl.BlockSpec((1, 1), lambda i: (0, 0)),
        ],
        out_specs=pl.BlockSpec((1, 1, BLK), lambda i: (i, 0, 0)),
        out_shape=jax.ShapeDtypeStruct((nb, 1, BLK), jnp.float32),
    )(gathered, gathered, W1b, b1_2d, W2b, b2_2d)


def kernel(embds, W1, b1, W2, b2, p_vertices, q_vertices):
    B = p_vertices.shape[0]
    emb_d = embds.shape[1]
    hid = W1.shape[1]
    W1b = W1.astype(jnp.bfloat16)
    W2b = W2.astype(jnp.bfloat16)
    b1_2d = b1.reshape(1, hid)
    b2_2d = b2.reshape(1, 1)

    outs = []
    base = 0
    for n_pairs in STAGES:
        gathered = _sc_gather_pairs(embds, p_vertices, q_vertices, base, n_pairs, emb_d)
        outs.append(_mlp(gathered, W1b, b1_2d, W2b, b2_2d, n_pairs, emb_d, hid).reshape(n_pairs))
        base += n_pairs
    if len(outs) == 1:
        return outs[0]
    return jnp.concatenate(outs)

# --- scband reference (transcript-rebuilt; emitter-appended) ---
"""Pipeline reference for scband-pretrained-ge-gnn-27943057228212 (READ-ONLY COPY).

The authoritative reference and input builder live on the scoring server;
editing this copy changes nothing except your own understanding.
"""

import jax, jax.numpy as jnp
import numpy as np

N_VERTS = 100000   # number of precomputed vertex embeddings
EMB_D   = 256      # out_channels of GraphUNet (embedding dim)
HID     = 256      # hidden width of embedding_decoder_mlp
B       = 16384    # number of (p, q) query pairs


def setup_inputs(seed: int = 0) -> dict:
    key = jax.random.key(seed)
    ks = jax.random.split(key, 8)
    # precomputed per-vertex embeddings (self.embds after precompute())
    embds = jax.random.normal(ks[0], (N_VERTS, EMB_D), dtype=jnp.float32)
    # decoder MLP params: Linear(EMB_D, HID) -> ReLU -> Linear(HID, 1)
    W1 = jax.random.normal(ks[1], (EMB_D, HID), dtype=jnp.float32) * (1.0 / np.sqrt(EMB_D))
    b1 = jnp.zeros((HID,), dtype=jnp.float32)
    W2 = jax.random.normal(ks[2], (HID, 1), dtype=jnp.float32) * (1.0 / np.sqrt(HID))
    b2 = jnp.zeros((1,), dtype=jnp.float32)
    p_vertices = jax.random.randint(ks[3], (B,), 0, N_VERTS, dtype=jnp.int32)
    q_vertices = jax.random.randint(ks[4], (B,), 0, N_VERTS, dtype=jnp.int32)
    return {
        "embds": embds,
        "W1": W1, "b1": b1, "W2": W2, "b2": b2,
        "p_vertices": p_vertices,
        "q_vertices": q_vertices,
    }


def reference(embds, W1, b1, W2, b2, p_vertices, q_vertices):
    # embd_decoder_func: gather both endpoints, squared difference, MLP -> scalar per pair
    embd_i = jnp.take(embds, p_vertices, axis=0)   # [B, EMB_D]
    embd_j = jnp.take(embds, q_vertices, axis=0)   # [B, EMB_D]
    embd = (embd_i - embd_j) ** 2                  # [B, EMB_D]
    h = jnp.maximum(embd @ W1 + b1, 0.0)           # [B, HID]
    pred = h @ W2 + b2                             # [B, 1]
    return pred.squeeze(-1)                        # [B]

if __name__ == "__main__":
    import jax
    _d = setup_inputs()
    print(jax.jit(kernel)(*tuple(_d.values())))

</pallas_src>

<mosaic_0001>
#map = affine_map<(d0, d1) -> (0, 0)>
#map1 = affine_map<(d0, d1) -> (0)>
module attributes {stable_mosaic.version = 14 : i64} {
  func.func @gather_kernel(%arg0: i32, %arg1: i32, %arg2: memref<100000x256xf32, #tpu.memory_space<hbm>>, %arg3: memref<16384xi32, #tpu.memory_space<hbm>>, %arg4: memref<16384xi32, #tpu.memory_space<hbm>>, %arg5: memref<32768x256xf32, #tpu.memory_space<hbm>>, %arg6: memref<1024xi32, #tpu.memory_space<vmem>>, %arg7: memref<128x256xf32, #tpu.memory_space<vmem>>, %arg8: memref<128x256xf32, #tpu.memory_space<vmem>>, %arg9: memref<128x256xf32, #tpu.memory_space<vmem>>, %arg10: memref<!tpu.dma_semaphore, #tpu.memory_space<semaphore_mem>>, %arg11: memref<!tpu.dma_semaphore, #tpu.memory_space<semaphore_mem>>, %arg12: memref<!tpu.dma_semaphore, #tpu.memory_space<semaphore_mem>>, %arg13: memref<!tpu.dma_semaphore, #tpu.memory_space<semaphore_mem>>, %arg14: memref<!tpu.dma_semaphore, #tpu.memory_space<semaphore_mem>>, %arg15: memref<!tpu.dma_semaphore, #tpu.memory_space<semaphore_mem>>) attributes {dimension_semantics = [#tpu.dimension_semantics<core_parallel>, #tpu.dimension_semantics<subcore_parallel>], iteration_bounds = array<i64: 2, 16>, scalar_prefetch = 0 : i64, scratch_operands = 10 : i64, tpu.core_type = #tpu.core_type<sc_vector_subcore>, window_params = [{transform_indices = #map}, {transform_indices = #map1}, {transform_indices = #map1}, {transform_indices = #map}]} {
    %mul3A = arith.constant 2 : i32
    %mul3A_0 = arith.muli %arg1, %mul3A : i32
    %add3A = arith.addi %mul3A_0, %arg0 : i32
    %mul3A_1 = arith.constant 512 : i32
    %mul3A_2 = arith.muli %add3A, %mul3A_1 : i32
    %add3A_3 = arith.constant 0 : i32
    %add3A_4 = arith.addi %add3A_3, %mul3A_2 : i32
    "tpu.region"() ({
      %run_scoped3A = tpu.sem_alloc : memref<!tpu.dma_semaphore, #tpu.memory_space<semaphore_mem>>
      %dma_start3A_243 = arith.constant 0 : i32
      %dma_start3A_244 = tpu.memref_slice %arg6[%dma_start3A_243] : memref<1024xi32, #tpu.memory_space<vmem>> -> memref<512xi32, #tpu.memory_space<vmem>>
      %dma_start3A_245 = tpu.memref_slice %arg3[%add3A_4] : memref<16384xi32, #tpu.memory_space<hbm>> -> memref<512xi32, #tpu.memory_space<hbm>>
      %dma_start3A_246 = arith.constant 0 : i32
      %dma_start3A_247 = tpu.memref_slice %arg6[%dma_start3A_246] : memref<1024xi32, #tpu.memory_space<vmem>> -> memref<512xi32, #tpu.memory_space<vmem>>
      %dma_start3A_248 = tpu.memref_slice %arg3[%add3A_4] : memref<16384xi32, #tpu.memory_space<hbm>> -> memref<512xi32, #tpu.memory_space<hbm>>
      tpu.enqueue_dma source(%dma_start3A_248 : memref<512xi32, #tpu.memory_space<hbm>>) target(%dma_start3A_247 : memref<512xi32, #tpu.memory_space<vmem>>) target_semaphore(%run_scoped3A : memref<!tpu.dma_semaphore, #tpu.memory_space<semaphore_mem>>)
      %dma_wait3A_249 = arith.constant 0 : i32
      %dma_wait3A_250 = tpu.memref_slice %arg6[%dma_wait3A_249] : memref<1024xi32, #tpu.memory_space<vmem>> -> memref<512xi32, #tpu.memory_space<vmem>>
      %dma_wait3A_251 = tpu.memref_slice %arg3[%add3A_4] : memref<16384xi32, #tpu.memory_space<hbm>> -> memref<512xi32, #tpu.memory_space<hbm>>
      %dma_wait3A_252 = arith.constant 0 : i32
      %dma_wait3A_253 = tpu.memref_slice %arg6[%dma_wait3A_252] : memref<1024xi32, #tpu.memory_space<vmem>> -> memref<512xi32, #tpu.memory_space<vmem>>
      %dma_wait3A_254 = tpu.memref_slice %arg3[%add3A_4] : memref<16384xi32, #tpu.memory_space<hbm>> -> memref<512xi32, #tpu.memory_space<hbm>>
      tpu.wait_dma2 semaphore(%run_scoped3A : memref<!tpu.dma_semaphore, #tpu.memory_space<semaphore_mem>>) src(%dma_wait3A_254 : memref<512xi32, #tpu.memory_space<hbm>>) dst(%dma_wait3A_253 : memref<512xi32, #tpu.memory_space<vmem>>)
      tpu.yield
    }) : () -> ()
    "tpu.region"() ({
      %run_scoped3A = tpu.sem_alloc : memref<!tpu.dma_semaphore, #tpu.memory_space<semaphore_mem>>
      %dma_start3A_243 = arith.constant 512 : i32
      %dma_start3A_244 = tpu.memref_slice %arg6[%dma_start3A_243] : memref<1024xi32, #tpu.memory_space<vmem>> -> memref<512xi32, #tpu.memory_space<vmem>>
      %dma_start3A_245 = tpu.memref_slice %arg4[%add3A_4] : memref<16384xi32, #tpu.memory_space<hbm>> -> memref<512xi32, #tpu.memory_space<hbm>>
      %dma_start3A_246 = arith.constant 512 : i32
      %dma_start3A_247 = tpu.memref_slice %arg6[%dma_start3A_246] : memref<1024xi32, #tpu.memory_space<vmem>> -> memref<512xi32, #tpu.memory_space<vmem>>
      %dma_start3A_248 = tpu.memref_slice %arg4[%add3A_4] : memref<16384xi32, #tpu.memory_space<hbm>> -> memref<512xi32, #tpu.memory_space<hbm>>
      tpu.enqueue_dma source(%dma_start3A_248 : memref<512xi32, #tpu.memory_space<hbm>>) target(%dma_start3A_247 : memref<512xi32, #tpu.memory_space<vmem>>) target_semaphore(%run_scoped3A : memref<!tpu.dma_semaphore, #tpu.memory_space<semaphore_mem>>)
      %dma_wait3A_249 = arith.constant 512 : i32
      %dma_wait3A_250 = tpu.memref_slice %arg6[%dma_wait3A_249] : memref<1024xi32, #tpu.memory_space<vmem>> -> memref<512xi32, #tpu.memory_space<vmem>>
      %dma_wait3A_251 = tpu.memref_slice %arg4[%add3A_4] : memref<16384xi32, #tpu.memory_space<hbm>> -> memref<512xi32, #tpu.memory_space<hbm>>
      %dma_wait3A_252 = arith.constant 512 : i32
      %dma_wait3A_253 = tpu.memref_slice %arg6[%dma_wait3A_252] : memref<1024xi32, #tpu.memory_space<vmem>> -> memref<512xi32, #tpu.memory_space<vmem>>
      %dma_wait3A_254 = tpu.memref_slice %arg4[%add3A_4] : memref<16384xi32, #tpu.memory_space<hbm>> -> memref<512xi32, #tpu.memory_space<hbm>>
      tpu.wait_dma2 semaphore(%run_scoped3A : memref<!tpu.dma_semaphore, #tpu.memory_space<semaphore_mem>>) src(%dma_wait3A_254 : memref<512xi32, #tpu.memory_space<hbm>>) dst(%dma_wait3A_253 : memref<512xi32, #tpu.memory_space<vmem>>)
      tpu.yield
    }) : () -> ()
    %dma_start3A = arith.constant 0 : i32
    %dma_start3A_5 = tpu.memref_slice %arg6[%dma_start3A] : memref<1024xi32, #tpu.memory_space<vmem>> -> memref<128xi32, #tpu.memory_space<vmem>>
    %dma_start3A_6 = arith.constant 0 : i32
    %dma_start3A_7 = arith.constant 0 : i32
    %dma_start3A_8 = tpu.memref_slice %arg2[%dma_start3A_6, %dma_start3A_7] : memref<100000x256xf32, #tpu.memory_space<hbm>> -> memref<100000x256xf32, #tpu.memory_space<hbm>>
    tpu.enqueue_indirect_dma source(%dma_start3A_8 : memref<100000x256xf32, #tpu.memory_space<hbm>>) target(%arg7 : memref<128x256xf32, #tpu.memory_space<vmem>>) offsets(%dma_start3A_5 : memref<128xi32, #tpu.memory_space<vmem>>) semaphore(%arg10 : memref<!tpu.dma_semaphore, #tpu.memory_space<semaphore_mem>>)
    %dma_start3A_9 = arith.constant 128 : i32
    %dma_start3A_10 = tpu.memref_slice %arg6[%dma_start3A_9] : memref<1024xi32, #tpu.memory_space<vmem>> -> memref<128xi32, #tpu.memory_space<vmem>>
    %dma_start3A_11 = arith.constant 0 : i32
    %dma_start3A_12 = arith.constant 0 : i32
    %dma_start3A_13 = tpu.memref_slice %arg2[%dma_start3A_11, %dma_start3A_12] : memref<100000x256xf32, #tpu.memory_space<hbm>> -> memref<100000x256xf32, #tpu.memory_space<hbm>>
    tpu.enqueue_indirect_dma source(%dma_start3A_13 : memref<100000x256xf32, #tpu.memory_space<hbm>>) target(%arg8 : memref<128x256xf32, #tpu.memory_space<vmem>>) offsets(%dma_start3A_10 : memref<128xi32, #tpu.memory_space<vmem>>) semaphore(%arg11 : memref<!tpu.dma_semaphore, #tpu.memory_space<semaphore_mem>>)
    %dma_start3A_14 = arith.constant 256 : i32
    %dma_start3A_15 = tpu.memref_slice %arg6[%dma_start3A_14] : memref<1024xi32, #tpu.memory_space<vmem>> -> memref<128xi32, #tpu.memory_space<vmem>>
    %dma_start3A_16 = arith.constant 0 : i32
    %dma_start3A_17 = arith.constant 0 : i32
    %dma_start3A_18 = tpu.memref_slice %arg2[%dma_start3A_16, %dma_start3A_17] : memref<100000x256xf32, #tpu.memory_space<hbm>> -> memref<100000x256xf32, #tpu.memory_space<hbm>>
    tpu.enqueue_indirect_dma source(%dma_start3A_18 : memref<100000x256xf32, #tpu.memory_space<hbm>>) target(%arg9 : memref<128x256xf32, #tpu.memory_space<vmem>>) offsets(%dma_start3A_15 : memref<128xi32, #tpu.memory_space<vmem>>) semaphore(%arg12 : memref<!tpu.dma_semaphore, #tpu.memory_space<semaphore_mem>>)
    %dma_wait3A = arith.constant 0 : i32
    %dma_wait3A_19 = tpu.memref_slice %arg6[%dma_wait3A] : memref<1024xi32, #tpu.memory_space<vmem>> -> memref<128xi32, #tpu.memory_space<vmem>>
    %dma_wait3A_20 = arith.constant 0 : i32
    %dma_wait3A_21 = arith.constant 0 : i32
    %dma_wait3A_22 = tpu.memref_slice %arg2[%dma_wait3A_20, %dma_wait3A_21] : memref<100000x256xf32, #tpu.memory_space<hbm>> -> memref<100000x256xf32, #tpu.memory_space<hbm>>
    tpu.wait_indirect_dma semaphore(%arg10 : memref<!tpu.dma_semaphore, #tpu.memory_space<semaphore_mem>>) src(%dma_wait3A_22 : memref<100000x256xf32, #tpu.memory_space<hbm>>) dst(%arg7 : memref<128x256xf32, #tpu.memory_space<vmem>>)
    %mul3A_23 = arith.constant 512 : i32
    %mul3A_24 = arith.muli %add3A, %mul3A_23 : i32
    %add3A_25 = arith.constant 0 : i32
    %add3A_26 = arith.addi %mul3A_24, %add3A_25 : i32
    %add3A_27 = arith.constant 0 : i32
    %add3A_28 = arith.addi %add3A_26, %add3A_27 : i32
    %dma_start3A_29 = arith.constant 0 : i32
    %dma_start3A_30 = tpu.memref_slice %arg5[%add3A_28, %dma_start3A_29] : memref<32768x256xf32, #tpu.memory_space<hbm>> -> memref<128x256xf32, #tpu.memory_space<hbm>>
    %dma_start3A_31 = arith.constant 0 : i32
    %dma_start3A_32 = tpu.memref_slice %arg5[%add3A_28, %dma_start3A_31] : memref<32768x256xf32, #tpu.memory_space<hbm>> -> memref<128x256xf32, #tpu.memory_space<hbm>>
    tpu.enqueue_dma source(%arg7 : memref<128x256xf32, #tpu.memory_space<vmem>>) target(%dma_start3A_32 : memref<128x256xf32, #tpu.memory_space<hbm>>) target_semaphore(%arg13 : memref<!tpu.dma_semaphore, #tpu.memory_space<semaphore_mem>>)
    %mul3A_33 = arith.constant 512 : i32
    %mul3A_34 = arith.muli %add3A, %mul3A_33 : i32
    %add3A_35 = arith.constant 0 : i32
    %add3A_36 = arith.addi %mul3A_34, %add3A_35 : i32
    %add3A_37 = arith.constant 0 : i32
    %add3A_38 = arith.addi %add3A_36, %add3A_37 : i32
    %dma_wait3A_39 = arith.constant 0 : i32
    %dma_wait3A_40 = tpu.memref_slice %arg5[%add3A_38, %dma_wait3A_39] : memref<32768x256xf32, #tpu.memory_space<hbm>> -> memref<128x256xf32, #tpu.memory_space<hbm>>
    %dma_wait3A_41 = arith.constant 0 : i32
    %dma_wait3A_42 = tpu.memref_slice %arg5[%add3A_38, %dma_wait3A_41] : memref<32768x256xf32, #tpu.memory_space<hbm>> -> memref<128x256xf32, #tpu.memory_space<hbm>>
    tpu.wait_dma2 semaphore(%arg13 : memref<!tpu.dma_semaphore, #tpu.memory_space<semaphore_mem>>) src(%arg7 : memref<128x256xf32, #tpu.memory_space<vmem>>) dst(%dma_wait3A_42 : memref<128x256xf32, #tpu.memory_space<hbm>>)
    %dma_start3A_43 = arith.constant 384 : i32
    %dma_start3A_44 = tpu.memref_slice %arg6[%dma_start3A_43] : memref<1024xi32, #tpu.memory_space<vmem>> -> memref<128xi32, #tpu.memory_space<vmem>>
    %dma_start3A_45 = arith.constant 0 : i32
    %dma_start3A_46 = arith.constant 0 : i32
    %dma_start3A_47 = tpu.memref_slice %arg2[%dma_start3A_45, %dma_start3A_46] : memref<100000x256xf32, #tpu.memory_space<hbm>> -> memref<100000x256xf32, #tpu.memory_space<hbm>>
    tpu.enqueue_indirect_dma source(%dma_start3A_47 : memref<100000x256xf32, #tpu.memory_space<hbm>>) target(%arg7 : memref<128x256xf32, #tpu.memory_space<vmem>>) offsets(%dma_start3A_44 : memref<128xi32, #tpu.memory_space<vmem>>) semaphore(%arg10 : memref<!tpu.dma_semaphore, #tpu.memory_space<semaphore_mem>>)
    %dma_wait3A_48 = arith.constant 128 : i32
    %dma_wait3A_49 = tpu.memref_slice %arg6[%dma_wait3A_48] : memref<1024xi32, #tpu.memory_space<vmem>> -> memref<128xi32, #tpu.memory_space<vmem>>
    %dma_wait3A_50 = arith.constant 0 : i32
    %dma_wait3A_51 = arith.constant 0 : i32
    %dma_wait3A_52 = tpu.memref_slice %arg2[%dma_wait3A_50, %dma_wait3A_51] : memref<100000x256xf32, #tpu.memory_space<hbm>> -> memref<100000x256xf32, #tpu.memory_space<hbm>>
    tpu.wait_indirect_dma semaphore(%arg11 : memref<!tpu.dma_semaphore, #tpu.memory_space<semaphore_mem>>) src(%dma_wait3A_52 : memref<100000x256xf32, #tpu.memory_space<hbm>>) dst(%arg8 : memref<128x256xf32, #tpu.memory_space<vmem>>)
    %mul3A_53 = arith.constant 512 : i32
    %mul3A_54 = arith.muli %add3A, %mul3A_53 : i32
    %add3A_55 = arith.constant 128 : i32
    %add3A_56 = arith.addi %mul3A_54, %add3A_55 : i32
    %add3A_57 = arith.constant 0 : i32
    %add3A_58 = arith.addi %add3A_56, %add3A_57 : i32
    %dma_start3A_59 = arith.constant 0 : i32
    %dma_start3A_60 = tpu.memref_slice %arg5[%add3A_58, %dma_start3A_59] : memref<32768x256xf32, #tpu.memory_space<hbm>> -> memref<128x256xf32, #tpu.memory_space<hbm>>
    %dma_start3A_61 = arith.constant 0 : i32
    %dma_start3A_62 = tpu.memref_slice %arg5[%add3A_58, %dma_start3A_61] : memref<32768x256xf32, #tpu.memory_space<hbm>> -> memref<128x256xf32, #tpu.memory_space<hbm>>
    tpu.enqueue_dma source(%arg8 : memref<128x256xf32, #tpu.memory_space<vmem>>) target(%dma_start3A_62 : memref<128x256xf32, #tpu.memory_space<hbm>>) target_semaphore(%arg14 : memref<!tpu.dma_semaphore, #tpu.memory_space<semaphore_mem>>)
    %mul3A_63 = arith.constant 512 : i32
    %mul3A_64 = arith.muli %add3A, %mul3A_63 : i32
    %add3A_65 = arith.constant 128 : i32
    %add3A_66 = arith.addi %mul3A_64, %add3A_65 : i32
    %add3A_67 = arith.constant 0 : i32
    %add3A_68 = arith.addi %add3A_66, %add3A_67 : i32
    %dma_wait3A_69 = arith.constant 0 : i32
    %dma_wait3A_70 = tpu.memref_slice %arg5[%add3A_68, %dma_wait3A_69] : memref<32768x256xf32, #tpu.memory_space<hbm>> -> memref<128x256xf32, #tpu.memory_space<hbm>>
    %dma_wait3A_71 = arith.constant 0 : i32
    %dma_wait3A_72 = tpu.memref_slice %arg5[%add3A_68, %dma_wait3A_71] : memref<32768x256xf32, #tpu.memory_space<hbm>> -> memref<128x256xf32, #tpu.memory_space<hbm>>
    tpu.wait_dma2 semaphore(%arg14 : memref<!tpu.dma_semaphore, #tpu.memory_space<semaphore_mem>>) src(%arg8 : memref<128x256xf32, #tpu.memory_space<vmem>>) dst(%dma_wait3A_72 : memref<128x256xf32, #tpu.memory_space<hbm>>)
    %dma_start3A_73 = arith.constant 512 : i32
    %dma_start3A_74 = tpu.memref_slice %arg6[%dma_start3A_73] : memref<1024xi32, #tpu.memory_space<vmem>> -> memref<128xi32, #tpu.memory_space<vmem>>
    %dma_start3A_75 = arith.constant 0 : i32
    %dma_start3A_76 = arith.constant 0 : i32
    %dma_start3A_77 = tpu.memref_slice %arg2[%dma_start3A_75, %dma_start3A_76] : memref<100000x256xf32, #tpu.memory_space<hbm>> -> memref<100000x256xf32, #tpu.memory_space<hbm>>
    tpu.enqueue_indirect_dma source(%dma_start3A_77 : memref<100000x256xf32, #tpu.memory_space<hbm>>) target(%arg8 : memref<128x256xf32, #tpu.memory_space<vmem>>) offsets(%dma_start3A_74 : memref<128xi32, #tpu.memory_space<vmem>>) semaphore(%arg11 : memref<!tpu.dma_semaphore, #tpu.memory_space<semaphore_mem>>)
    %dma_wait3A_78 = arith.constant 256 : i32
    %dma_wait3A_79 = tpu.memref_slice %arg6[%dma_wait3A_78] : memref<1024xi32, #tpu.memory_space<vmem>> -> memref<128xi32, #tpu.memory_space<vmem>>
    %dma_wait3A_80 = arith.constant 0 : i32
    %dma_wait3A_81 = arith.constant 0 : i32
    %dma_wait3A_82 = tpu.memref_slice %arg2[%dma_wait3A_80, %dma_wait3A_81] : memref<100000x256xf32, #tpu.memory_space<hbm>> -> memref<100000x256xf32, #tpu.memory_space<hbm>>
    tpu.wait_indirect_dma semaphore(%arg12 : memref<!tpu.dma_semaphore, #tpu.memory_space<semaphore_mem>>) src(%dma_wait3A_82 : memref<100000x256xf32, #tpu.memory_space<hbm>>) dst(%arg9 : memref<128x256xf32, #tpu.memory_space<vmem>>)
    %mul3A_83 = arith.constant 512 : i32
    %mul3A_84 = arith.muli %add3A, %mul3A_83 : i32
    %add3A_85 = arith.constant 256 : i32
    %add3A_86 = arith.addi %mul3A_84, %add3A_85 : i32
    %add3A_87 = arith.constant 0 : i32
    %add3A_88 = arith.addi %add3A_86, %add3A_87 : i32
    %dma_start3A_89 = arith.constant 0 : i32
    %dma_start3A_90 = tpu.memref_slice %arg5[%add3A_88, %dma_start3A_89] : memref<32768x256xf32, #tpu.memory_space<hbm>> -> memref<128x256xf32, #tpu.memory_space<hbm>>
    %dma_start3A_91 = arith.constant 0 : i32
    %dma_start3A_92 = tpu.memref_slice %arg5[%add3A_88, %dma_start3A_91] : memref<32768x256xf32, #tpu.memory_space<hbm>> -> memref<128x256xf32, #tpu.memory_space<hbm>>
    tpu.enqueue_dma source(%arg9 : memref<128x256xf32, #tpu.memory_space<vmem>>) target(%dma_start3A_92 : memref<128x256xf32, #tpu.memory_space<hbm>>) target_semaphore(%arg15 : memref<!tpu.dma_semaphore, #tpu.memory_space<semaphore_mem>>)
    %mul3A_93 = arith.constant 512 : i32
    %mul3A_94 = arith.muli %add3A, %mul3A_93 : i32
    %add3A_95 = arith.constant 256 : i32
    %add3A_96 = arith.addi %mul3A_94, %add3A_95 : i32
    %add3A_97 = arith.constant 0 : i32
    %add3A_98 = arith.addi %add3A_96, %add3A_97 : i32
    %dma_wait3A_99 = arith.constant 0 : i32
    %dma_wait3A_100 = tpu.memref_slice %arg5[%add3A_98, %dma_wait3A_99] : memref<32768x256xf32, #tpu.memory_space<hbm>> -> memref<128x256xf32, #tpu.memory_space<hbm>>
    %dma_wait3A_101 = arith.constant 0 : i32
    %dma_wait3A_102 = tpu.memref_slice %arg5[%add3A_98, %dma_wait3A_101] : memref<32768x256xf32, #tpu.memory_space<hbm>> -> memref<128x256xf32, #tpu.memory_space<hbm>>
    tpu.wait_dma2 semaphore(%arg15 : memref<!tpu.dma_semaphore, #tpu.memory_space<semaphore_mem>>) src(%arg9 : memref<128x256xf32, #tpu.memory_space<vmem>>) dst(%dma_wait3A_102 : memref<128x256xf32, #tpu.memory_space<hbm>>)
    %dma_start3A_103 = arith.constant 640 : i32
    %dma_start3A_104 = tpu.memref_slice %arg6[%dma_start3A_103] : memref<1024xi32, #tpu.memory_space<vmem>> -> memref<128xi32, #tpu.memory_space<vmem>>
    %dma_start3A_105 = arith.constant 0 : i32
    %dma_start3A_106 = arith.constant 0 : i32
    %dma_start3A_107 = tpu.memref_slice %arg2[%dma_start3A_105, %dma_start3A_106] : memref<100000x256xf32, #tpu.memory_space<hbm>> -> memref<100000x256xf32, #tpu.memory_space<hbm>>
    tpu.enqueue_indirect_dma source(%dma_start3A_107 : memref<100000x256xf32, #tpu.memory_space<hbm>>) target(%arg9 : memref<128x256xf32, #tpu.memory_space<vmem>>) offsets(%dma_start3A_104 : memref<128xi32, #tpu.memory_space<vmem>>) semaphore(%arg12 : memref<!tpu.dma_semaphore, #tpu.memory_space<semaphore_mem>>)
    %dma_wait3A_108 = arith.constant 384 : i32
    %dma_wait3A_109 = tpu.memref_slice %arg6[%dma_wait3A_108] : memref<1024xi32, #tpu.memory_space<vmem>> -> memref<128xi32, #tpu.memory_space<vmem>>
    %dma_wait3A_110 = arith.constant 0 : i32
    %dma_wait3A_111 = arith.constant 0 : i32
    %dma_wait3A_112 = tpu.memref_slice %arg2[%dma_wait3A_110, %dma_wait3A_111] : memref<100000x256xf32, #tpu.memory_space<hbm>> -> memref<100000x256xf32, #tpu.memory_space<hbm>>
    tpu.wait_indirect_dma semaphore(%arg10 : memref<!tpu.dma_semaphore, #tpu.memory_space<semaphore_mem>>) src(%dma_wait3A_112 : memref<100000x256xf32, #tpu.memory_space<hbm>>) dst(%arg7 : memref<128x256xf32, #tpu.memory_space<vmem>>)
    %mul3A_113 = arith.constant 512 : i32
    %mul3A_114 = arith.muli %add3A, %mul3A_113 : i32
    %add3A_115 = arith.constant 384 : i32
    %add3A_116 = arith.addi %mul3A_114, %add3A_115 : i32
    %add3A_117 = arith.constant 0 : i32
    %add3A_118 = arith.addi %add3A_116, %add3A_117 : i32
    %dma_start3A_119 = arith.constant 0 : i32
    %dma_start3A_120 = tpu.memref_slice %arg5[%add3A_118, %dma_start3A_119] : memref<32768x256xf32, #tpu.memory_space<hbm>> -> memref<128x256xf32, #tpu.memory_space<hbm>>
    %dma_start3A_121 = arith.constant 0 : i32
    %dma_start3A_122 = tpu.memref_slice %arg5[%add3A_118, %dma_start3A_121] : memref<32768x256xf32, #tpu.memory_space<hbm>> -> memref<128x256xf32, #tpu.memory_space<hbm>>
    tpu.enqueue_dma source(%arg7 : memref<128x256xf32, #tpu.memory_space<vmem>>) target(%dma_start3A_122 : memref<128x256xf32, #tpu.memory_space<hbm>>) target_semaphore(%arg13 : memref<!tpu.dma_semaphore, #tpu.memory_space<semaphore_mem>>)
    %mul3A_123 = arith.constant 512 : i32
    %mul3A_124 = arith.muli %add3A, %mul3A_123 : i32
    %add3A_125 = arith.constant 384 : i32
    %add3A_126 = arith.addi %mul3A_124, %add3A_125 : i32
    %add3A_127 = arith.constant 0 : i32
    %add3A_128 = arith.addi %add3A_126, %add3A_127 : i32
    %dma_wait3A_129 = arith.constant 0 : i32
    %dma_wait3A_130 = tpu.memref_slice %arg5[%add3A_128, %dma_wait3A_129] : memref<32768x256xf32, #tpu.memory_space<hbm>> -> memref<128x256xf32, #tpu.memory_space<hbm>>
    %dma_wait3A_131 = arith.constant 0 : i32
    %dma_wait3A_132 = tpu.memref_slice %arg5[%add3A_128, %dma_wait3A_131] : memref<32768x256xf32, #tpu.memory_space<hbm>> -> memref<128x256xf32, #tpu.memory_space<hbm>>
    tpu.wait_dma2 semaphore(%arg13 : memref<!tpu.dma_semaphore, #tpu.memory_space<semaphore_mem>>) src(%arg7 : memref<128x256xf32, #tpu.memory_space<vmem>>) dst(%dma_wait3A_132 : memref<128x256xf32, #tpu.memory_space<hbm>>)
    %dma_start3A_133 = arith.constant 768 : i32
    %dma_start3A_134 = tpu.memref_slice %arg6[%dma_start3A_133] : memref<1024xi32, #tpu.memory_space<vmem>> -> memref<128xi32, #tpu.memory_space<vmem>>
    %dma_start3A_135 = arith.constant 0 : i32
    %dma_start3A_136 = arith.constant 0 : i32
    %dma_start3A_137 = tpu.memref_slice %arg2[%dma_start3A_135, %dma_start3A_136] : memref<100000x256xf32, #tpu.memory_space<hbm>> -> memref<100000x256xf32, #tpu.memory_space<hbm>>
    tpu.enqueue_indirect_dma source(%dma_start3A_137 : memref<100000x256xf32, #tpu.memory_space<hbm>>) target(%arg7 : memref<128x256xf32, #tpu.memory_space<vmem>>) offsets(%dma_start3A_134 : memref<128xi32, #tpu.memory_space<vmem>>) semaphore(%arg10 : memref<!tpu.dma_semaphore, #tpu.memory_space<semaphore_mem>>)
    %dma_wait3A_138 = arith.constant 512 : i32
    %dma_wait3A_139 = tpu.memref_slice %arg6[%dma_wait3A_138] : memref<1024xi32, #tpu.memory_space<vmem>> -> memref<128xi32, #tpu.memory_space<vmem>>
    %dma_wait3A_140 = arith.constant 0 : i32
    %dma_wait3A_141 = arith.constant 0 : i32
    %dma_wait3A_142 = tpu.memref_slice %arg2[%dma_wait3A_140, %dma_wait3A_141] : memref<100000x256xf32, #tpu.memory_space<hbm>> -> memref<100000x256xf32, #tpu.memory_space<hbm>>
    tpu.wait_indirect_dma semaphore(%arg11 : memref<!tpu.dma_semaphore, #tpu.memory_space<semaphore_mem>>) src(%dma_wait3A_142 : memref<100000x256xf32, #tpu.memory_space<hbm>>) dst(%arg8 : memref<128x256xf32, #tpu.memory_space<vmem>>)
    %mul3A_143 = arith.constant 512 : i32
    %mul3A_144 = arith.muli %add3A, %mul3A_143 : i32
    %add3A_145 = arith.constant 0 : i32
    %add3A_146 = arith.addi %mul3A_144, %add3A_145 : i32
    %add3A_147 = arith.constant 16384 : i32
    %add3A_148 = arith.addi %add3A_146, %add3A_147 : i32
    %dma_start3A_149 = arith.constant 0 : i32
    %dma_start3A_150 = tpu.memref_slice %arg5[%add3A_148, %dma_start3A_149] : memref<32768x256xf32, #tpu.memory_space<hbm>> -> memref<128x256xf32, #tpu.memory_space<hbm>>
    %dma_start3A_151 = arith.constant 0 : i32
    %dma_start3A_152 = tpu.memref_slice %arg5[%add3A_148, %dma_start3A_151] : memref<32768x256xf32, #tpu.memory_space<hbm>> -> memref<128x256xf32, #tpu.memory_space<hbm>>
    tpu.enqueue_dma source(%arg8 : memref<128x256xf32, #tpu.memory_space<vmem>>) target(%dma_start3A_152 : memref<128x256xf32, #tpu.memory_space<hbm>>) target_semaphore(%arg14 : memref<!tpu.dma_semaphore, #tpu.memory_space<semaphore_mem>>)
    %mul3A_153 = arith.constant 512 : i32
    %mul3A_154 = arith.muli %add3A, %mul3A_153 : i32
    %add3A_155 = arith.constant 0 : i32
    %add3A_156 = arith.addi %mul3A_154, %add3A_155 : i32
    %add3A_157 = arith.constant 16384 : i32
    %add3A_158 = arith.addi %add3A_156, %add3A_157 : i32
    %dma_wait3A_159 = arith.constant 0 : i32
    %dma_wait3A_160 = tpu.memref_slice %arg5[%add3A_158, %dma_wait3A_159] : memref<32768x256xf32, #tpu.memory_space<hbm>> -> memref<128x256xf32, #tpu.memory_space<hbm>>
    %dma_wait3A_161 = arith.constant 0 : i32
    %dma_wait3A_162 = tpu.memref_slice %arg5[%add3A_158, %dma_wait3A_161] : memref<32768x256xf32, #tpu.memory_space<hbm>> -> memref<128x256xf32, #tpu.memory_space<hbm>>
    tpu.wait_dma2 semaphore(%arg14 : memref<!tpu.dma_semaphore, #tpu.memory_space<semaphore_mem>>) src(%arg8 : memref<128x256xf32, #tpu.memory_space<vmem>>) dst(%dma_wait3A_162 : memref<128x256xf32, #tpu.memory_space<hbm>>)
    %dma_start3A_163 = arith.constant 896 : i32
    %dma_start3A_164 = tpu.memref_slice %arg6[%dma_start3A_163] : memref<1024xi32, #tpu.memory_space<vmem>> -> memref<128xi32, #tpu.memory_space<vmem>>
    %dma_start3A_165 = arith.constant 0 : i32
    %dma_start3A_166 = arith.constant 0 : i32
    %dma_start3A_167 = tpu.memref_slice %arg2[%dma_start3A_165, %dma_start3A_166] : memref<100000x256xf32, #tpu.memory_space<hbm>> -> memref<100000x256xf32, #tpu.memory_space<hbm>>
    tpu.enqueue_indirect_dma source(%dma_start3A_167 : memref<100000x256xf32, #tpu.memory_space<hbm>>) target(%arg8 : memref<128x256xf32, #tpu.memory_space<vmem>>) offsets(%dma_start3A_164 : memref<128xi32, #tpu.memory_space<vmem>>) semaphore(%arg11 : memref<!tpu.dma_semaphore, #tpu.memory_space<semaphore_mem>>)
    %dma_wait3A_168 = arith.constant 640 : i32
    %dma_wait3A_169 = tpu.memref_slice %arg6[%dma_wait3A_168] : memref<1024xi32, #tpu.memory_space<vmem>> -> memref<128xi32, #tpu.memory_space<vmem>>
    %dma_wait3A_170 = arith.constant 0 : i32
    %dma_wait3A_171 = arith.constant 0 : i32
    %dma_wait3A_172 = tpu.memref_slice %arg2[%dma_wait3A_170, %dma_wait3A_171] : memref<100000x256xf32, #tpu.memory_space<hbm>> -> memref<100000x256xf32, #tpu.memory_space<hbm>>
    tpu.wait_indirect_dma semaphore(%arg12 : memref<!tpu.dma_semaphore, #tpu.memory_space<semaphore_mem>>) src(%dma_wait3A_172 : memref<100000x256xf32, #tpu.memory_space<hbm>>) dst(%arg9 : memref<128x256xf32, #tpu.memory_space<vmem>>)
    %mul3A_173 = arith.constant 512 : i32
    %mul3A_174 = arith.muli %add3A, %mul3A_173 : i32
    %add3A_175 = arith.constant 128 : i32
    %add3A_176 = arith.addi %mul3A_174, %add3A_175 : i32
    %add3A_177 = arith.constant 16384 : i32
    %add3A_178 = arith.addi %add3A_176, %add3A_177 : i32
    %dma_start3A_179 = arith.constant 0 : i32
    %dma_start3A_180 = tpu.memref_slice %arg5[%add3A_178, %dma_start3A_179] : memref<32768x256xf32, #tpu.memory_space<hbm>> -> memref<128x256xf32, #tpu.memory_space<hbm>>
    %dma_start3A_181 = arith.constant 0 : i32
    %dma_start3A_182 = tpu.memref_slice %arg5[%add3A_178, %dma_start3A_181] : memref<32768x256xf32, #tpu.memory_space<hbm>> -> memref<128x256xf32, #tpu.memory_space<hbm>>
    tpu.enqueue_dma source(%arg9 : memref<128x256xf32, #tpu.memory_space<vmem>>) target(%dma_start3A_182 : memref<128x256xf32, #tpu.memory_space<hbm>>) target_semaphore(%arg15 : memref<!tpu.dma_semaphore, #tpu.memory_space<semaphore_mem>>)
    %dma_wait3A_183 = arith.constant 768 : i32
    %dma_wait3A_184 = tpu.memref_slice %arg6[%dma_wait3A_183] : memref<1024xi32, #tpu.memory_space<vmem>> -> memref<128xi32, #tpu.memory_space<vmem>>
    %dma_wait3A_185 = arith.constant 0 : i32
    %dma_wait3A_186 = arith.constant 0 : i32
    %dma_wait3A_187 = tpu.memref_slice %arg2[%dma_wait3A_185, %dma_wait3A_186] : memref<100000x256xf32, #tpu.memory_space<hbm>> -> memref<100000x256xf32, #tpu.memory_space<hbm>>
    tpu.wait_indirect_dma semaphore(%arg10 : memref<!tpu.dma_semaphore, #tpu.memory_space<semaphore_mem>>) src(%dma_wait3A_187 : memref<100000x256xf32, #tpu.memory_space<hbm>>) dst(%arg7 : memref<128x256xf32, #tpu.memory_space<vmem>>)
    %mul3A_188 = arith.constant 512 : i32
    %mul3A_189 = arith.muli %add3A, %mul3A_188 : i32
    %add3A_190 = arith.constant 256 : i32
    %add3A_191 = arith.addi %mul3A_189, %add3A_190 : i32
    %add3A_192 = arith.constant 16384 : i32
    %add3A_193 = arith.addi %add3A_191, %add3A_192 : i32
    %dma_start3A_194 = arith.constant 0 : i32
    %dma_start3A_195 = tpu.memref_slice %arg5[%add3A_193, %dma_start3A_194] : memref<32768x256xf32, #tpu.memory_space<hbm>> -> memref<128x256xf32, #tpu.memory_space<hbm>>
    %dma_start3A_196 = arith.constant 0 : i32
    %dma_start3A_197 = tpu.memref_slice %arg5[%add3A_193, %dma_start3A_196] : memref<32768x256xf32, #tpu.memory_space<hbm>> -> memref<128x256xf32, #tpu.memory_space<hbm>>
    tpu.enqueue_dma source(%arg7 : memref<128x256xf32, #tpu.memory_space<vmem>>) target(%dma_start3A_197 : memref<128x256xf32, #tpu.memory_space<hbm>>) target_semaphore(%arg13 : memref<!tpu.dma_semaphore, #tpu.memory_space<semaphore_mem>>)
    %dma_wait3A_198 = arith.constant 896 : i32
    %dma_wait3A_199 = tpu.memref_slice %arg6[%dma_wait3A_198] : memref<1024xi32, #tpu.memory_space<vmem>> -> memref<128xi32, #tpu.memory_space<vmem>>
    %dma_wait3A_200 = arith.constant 0 : i32
    %dma_wait3A_201 = arith.constant 0 : i32
    %dma_wait3A_202 = tpu.memref_slice %arg2[%dma_wait3A_200, %dma_wait3A_201] : memref<100000x256xf32, #tpu.memory_space<hbm>> -> memref<100000x256xf32, #tpu.memory_space<hbm>>
    tpu.wait_indirect_dma semaphore(%arg11 : memref<!tpu.dma_semaphore, #tpu.memory_space<semaphore_mem>>) src(%dma_wait3A_202 : memref<100000x256xf32, #tpu.memory_space<hbm>>) dst(%arg8 : memref<128x256xf32, #tpu.memory_space<vmem>>)
    %mul3A_203 = arith.constant 512 : i32
    %mul3A_204 = arith.muli %add3A, %mul3A_203 : i32
    %add3A_205 = arith.constant 384 : i32
    %add3A_206 = arith.addi %mul3A_204, %add3A_205 : i32
    %add3A_207 = arith.constant 16384 : i32
    %add3A_208 = arith.addi %add3A_206, %add3A_207 : i32
    %dma_start3A_209 = arith.constant 0 : i32
    %dma_start3A_210 = tpu.memref_slice %arg5[%add3A_208, %dma_start3A_209] : memref<32768x256xf32, #tpu.memory_space<hbm>> -> memref<128x256xf32, #tpu.memory_space<hbm>>
    %dma_start3A_211 = arith.constant 0 : i32
    %dma_start3A_212 = tpu.memref_slice %arg5[%add3A_208, %dma_start3A_211] : memref<32768x256xf32, #tpu.memory_space<hbm>> -> memref<128x256xf32, #tpu.memory_space<hbm>>
    tpu.enqueue_dma source(%arg8 : memref<128x256xf32, #tpu.memory_space<vmem>>) target(%dma_start3A_212 : memref<128x256xf32, #tpu.memory_space<hbm>>) target_semaphore(%arg14 : memref<!tpu.dma_semaphore, #tpu.memory_space<semaphore_mem>>)
    %mul3A_213 = arith.constant 512 : i32
    %mul3A_214 = arith.muli %add3A, %mul3A_213 : i32
    %add3A_215 = arith.constant 128 : i32
    %add3A_216 = arith.addi %mul3A_214, %add3A_215 : i32
    %add3A_217 = arith.constant 16384 : i32
    %add3A_218 = arith.addi %add3A_216, %add3A_217 : i32
    %dma_wait3A_219 = arith.constant 0 : i32
    %dma_wait3A_220 = tpu.memref_slice %arg5[%add3A_218, %dma_wait3A_219] : memref<32768x256xf32, #tpu.memory_space<hbm>> -> memref<128x256xf32, #tpu.memory_space<hbm>>
    %dma_wait3A_221 = arith.constant 0 : i32
    %dma_wait3A_222 = tpu.memref_slice %arg5[%add3A_218, %dma_wait3A_221] : memref<32768x256xf32, #tpu.memory_space<hbm>> -> memref<128x256xf32, #tpu.memory_space<hbm>>
    tpu.wait_dma2 semaphore(%arg15 : memref<!tpu.dma_semaphore, #tpu.memory_space<semaphore_mem>>) src(%arg9 : memref<128x256xf32, #tpu.memory_space<vmem>>) dst(%dma_wait3A_222 : memref<128x256xf32, #tpu.memory_space<hbm>>)
    %mul3A_223 = arith.constant 512 : i32
    %mul3A_224 = arith.muli %add3A, %mul3A_223 : i32
    %add3A_225 = arith.constant 256 : i32
    %add3A_226 = arith.addi %mul3A_224, %add3A_225 : i32
    %add3A_227 = arith.constant 16384 : i32
    %add3A_228 = arith.addi %add3A_226, %add3A_227 : i32
    %dma_wait3A_229 = arith.constant 0 : i32
    %dma_wait3A_230 = tpu.memref_slice %arg5[%add3A_228, %dma_wait3A_229] : memref<32768x256xf32, #tpu.memory_space<hbm>> -> memref<128x256xf32, #tpu.memory_space<hbm>>
    %dma_wait3A_231 = arith.constant 0 : i32
    %dma_wait3A_232 = tpu.memref_slice %arg5[%add3A_228, %dma_wait3A_231] : memref<32768x256xf32, #tpu.memory_space<hbm>> -> memref<128x256xf32, #tpu.memory_space<hbm>>
    tpu.wait_dma2 semaphore(%arg13 : memref<!tpu.dma_semaphore, #tpu.memory_space<semaphore_mem>>) src(%arg7 : memref<128x256xf32, #tpu.memory_space<vmem>>) dst(%dma_wait3A_232 : memref<128x256xf32, #tpu.memory_space<hbm>>)
    %mul3A_233 = arith.constant 512 : i32
    %mul3A_234 = arith.muli %add3A, %mul3A_233 : i32
    %add3A_235 = arith.constant 384 : i32
    %add3A_236 = arith.addi %mul3A_234, %add3A_235 : i32
    %add3A_237 = arith.constant 16384 : i32
    %add3A_238 = arith.addi %add3A_236, %add3A_237 : i32
    %dma_wait3A_239 = arith.constant 0 : i32
    %dma_wait3A_240 = tpu.memref_slice %arg5[%add3A_238, %dma_wait3A_239] : memref<32768x256xf32, #tpu.memory_space<hbm>> -> memref<128x256xf32, #tpu.memory_space<hbm>>
    %dma_wait3A_241 = arith.constant 0 : i32
    %dma_wait3A_242 = tpu.memref_slice %arg5[%add3A_238, %dma_wait3A_241] : memref<32768x256xf32, #tpu.memory_space<hbm>> -> memref<128x256xf32, #tpu.memory_space<hbm>>
    tpu.wait_dma2 semaphore(%arg14 : memref<!tpu.dma_semaphore, #tpu.memory_space<semaphore_mem>>) src(%arg8 : memref<128x256xf32, #tpu.memory_space<vmem>>) dst(%dma_wait3A_242 : memref<128x256xf32, #tpu.memory_space<hbm>>)
    return
  }
}

module attributes {stable_mosaic.version = 14 : i64} {
  func.func @_mlp_body(%arg0: i32, %arg1: memref<4096x256xf32, #tpu.memory_space<vmem>>, %arg2: memref<4096x256xf32, #tpu.memory_space<vmem>>, %arg3: memref<256x256xbf16, #tpu.memory_space<vmem>>, %arg4: memref<1x256xf32, #tpu.memory_space<vmem>>, %arg5: memref<256x1xbf16, #tpu.memory_space<vmem>>, %arg6: memref<1x1xf32, #tpu.memory_space<vmem>>, %arg7: memref<1x1x4096xf32, #tpu.memory_space<vmem>>) attributes {dimension_semantics = [#tpu.dimension_semantics<arbitrary>], iteration_bounds = array<i64: 4>, scalar_prefetch = 0 : i64, scratch_operands = 0 : i64, tpu.core_type = #tpu.core_type<tc>, window_params = [{transform_indices = @transform_0, window_bounds = array<i64: 4096, 256>}, {transform_indices = @transform_1, window_bounds = array<i64: 4096, 256>}, {pipeline_mode = #tpu.pipeline_mode<synchronous>, transform_indices = @transform_2, window_bounds = array<i64: 256, 256>}, {pipeline_mode = #tpu.pipeline_mode<synchronous>, transform_indices = @transform_3, window_bounds = array<i64: 1, 256>}, {pipeline_mode = #tpu.pipeline_mode<synchronous>, transform_indices = @transform_4, window_bounds = array<i64: 256, 1>}, {pipeline_mode = #tpu.pipeline_mode<synchronous>, transform_indices = @transform_5, window_bounds = array<i64: 1, 1>}, {transform_indices = @transform_6, window_bounds = array<i64: 1, 1, 4096>}]} {
    %get3A = arith.constant 0 : index
    %get3A_0 = arith.constant 0 : index
    %get3A_1 = vector.load %arg1[%get3A, %get3A_0] : memref<4096x256xf32, #tpu.memory_space<vmem>>, vector<4096x256xf32>
    %get3A_2 = arith.constant 0 : index
    %get3A_3 = arith.constant 0 : index
    %get3A_4 = vector.load %arg2[%get3A_2, %get3A_3] : memref<4096x256xf32, #tpu.memory_space<vmem>>, vector<4096x256xf32>
    %sub3A = arith.subf %get3A_1, %get3A_4 : vector<4096x256xf32>
    %mul3A = arith.mulf %sub3A, %sub3A : vector<4096x256xf32>
    %convert_element_type3A = arith.truncf %mul3A : vector<4096x256xf32> to vector<4096x256xbf16>
    %get3A_5 = arith.constant 0 : index
    %get3A_6 = arith.constant 0 : index
    %get3A_7 = vector.load %arg3[%get3A_5, %get3A_6] : memref<256x256xbf16, #tpu.memory_space<vmem>>, vector<256x256xbf16>
    %dot_general3A = arith.constant dense<0.000000e+00> : vector<4096x256xf32>
    %dot_general3A_8 = tpu.matmul %convert_element_type3A, %get3A_7, %dot_general3A {dimension_numbers = #tpu.dot_dimension_numbers<[1], [0], [0], [1], [0, 0, 1, 1], [], []>, transpose_lhs_hint = false} : vector<4096x256xbf16>, vector<256x256xbf16>, vector<4096x256xf32> -> vector<4096x256xf32>
    %get3A_9 = arith.constant 0 : index
    %get3A_10 = arith.constant 0 : index
    %get3A_11 = vector.load %arg4[%get3A_9, %get3A_10] : memref<1x256xf32, #tpu.memory_space<vmem>>, vector<1x256xf32>
    %add3A = vector.broadcast %get3A_11 : vector<1x256xf32> to vector<4096x256xf32>
    %add3A_12 = arith.addf %dot_general3A_8, %add3A : vector<4096x256xf32>
    %max3A = arith.constant 0.000000e+00 : f32
    %max3A_13 = vector.broadcast %max3A : f32 to vector<4096x256xf32>
    %max3A_14 = arith.maximumf %add3A_12, %max3A_13 : vector<4096x256xf32>
    %convert_element_type3A_15 = arith.truncf %max3A_14 : vector<4096x256xf32> to vector<4096x256xbf16>
    %get3A_16 = arith.constant 0 : index
    %get3A_17 = arith.constant 0 : index
    %get3A_18 = vector.load %arg5[%get3A_16, %get3A_17] : memref<256x1xbf16, #tpu.memory_space<vmem>>, vector<256x1xbf16>
    %dot_general3A_19 = arith.constant dense<0.000000e+00> : vector<4096x1xf32>
    %dot_general3A_20 = tpu.matmul %convert_element_type3A_15, %get3A_18, %dot_general3A_19 {dimension_numbers = #tpu.dot_dimension_numbers<[1], [0], [0], [1], [0, 0, 1, 1], [], []>, transpose_lhs_hint = false} : vector<4096x256xbf16>, vector<256x1xbf16>, vector<4096x1xf32> -> vector<4096x1xf32>
    %get3A_21 = arith.constant 0 : index
    %get3A_22 = arith.constant 0 : index
    %get3A_23 = vector.load %arg6[%get3A_21, %get3A_22] : memref<1x1xf32, #tpu.memory_space<vmem>>, vector<1x1xf32>
    %add3A_24 = vector.broadcast %get3A_23 : vector<1x1xf32> to vector<4096x1xf32>
    %add3A_25 = arith.addf %dot_general3A_20, %add3A_24 : vector<4096x1xf32>
    %reshape3A = vector.shape_cast %add3A_25 : vector<4096x1xf32> to vector<1x1x4096xf32>
    %swap3A = arith.constant 0 : index
    %swap3A_26 = arith.constant 0 : index
    %swap3A_27 = arith.constant 0 : index
    %swap3A_28 = vector.load %arg7[%swap3A, %swap3A_26, %swap3A_27] : memref<1x1x4096xf32, #tpu.memory_space<vmem>>, vector<1x1x4096xf32>
    tpu.vector_store %arg7[%swap3A, %swap3A_26, %swap3A_27], %reshape3A {strides = array<i32>} : memref<1x1x4096xf32, #tpu.memory_space<vmem>>, vector<1x1x4096xf32>,
    return
  }
  func.func @transform_0(%arg0: i32) -> (i32, i32) {
    %c0_i32 = arith.constant 0 : i32
    %c0_i32_0 = arith.constant 0 : i32
    return %arg0, %c0_i32 : i32, i32
  }
  func.func @transform_1(%arg0: i32) -> (i32, i32) {
    %add3A = arith.constant 4 : i32
    %add3A_0 = arith.addi %arg0, %add3A : i32
    %c0_i32 = arith.constant 0 : i32
    %c0_i32_1 = arith.constant 0 : i32
    return %add3A_0, %c0_i32 : i32, i32
  }
  func.func @transform_2(%arg0: i32) -> (i32, i32) {
    %c0_i32 = arith.constant 0 : i32
    %c0_i32_0 = arith.constant 0 : i32
    %c0_i32_1 = arith.constant 0 : i32
    return %c0_i32, %c0_i32_0 : i32, i32
  }
  func.func @transform_3(%arg0: i32) -> (i32, i32) {
    %c0_i32 = arith.constant 0 : i32
    %c0_i32_0 = arith.constant 0 : i32
    %c0_i32_1 = arith.constant 0 : i32
    return %c0_i32, %c0_i32_0 : i32, i32
  }
  func.func @transform_4(%arg0: i32) -> (i32, i32) {
    %c0_i32 = arith.constant 0 : i32
    %c0_i32_0 = arith.constant 0 : i32
    %c0_i32_1 = arith.constant 0 : i32
    return %c0_i32, %c0_i32_0 : i32, i32
  }
  func.func @transform_5(%arg0: i32) -> (i32, i32) {
    %c0_i32 = arith.constant 0 : i32
    %c0_i32_0 = arith.constant 0 : i32
    %c0_i32_1 = arith.constant 0 : i32
    return %c0_i32, %c0_i32_0 : i32, i32
  }
  func.func @transform_6(%arg0: i32) -> (i32, i32, i32) {
    %c0_i32 = arith.constant 0 : i32
    %c0_i32_0 = arith.constant 0 : i32
    %c0_i32_1 = arith.constant 0 : i32
    return %arg0, %c0_i32, %c0_i32_0 : i32, i32, i32
  }
}

</mosaic_0001>

<sc_bundles>
// kernel: kernel.4.cloned.1.call-start
scs
__scs_entry_jumppad:
0x0: {  	(pc) =	sbr.rel $0x88, $3  }
0x1: {  	(tag) =	ssettag $0x0;
	lr =	simm.s32 $0x1  }
0x2: {  	[smem:$0x3F9A] =	sst lr;
	_ =	strace $0xD0000000  }
0x3: {  	_ = 	snop  }
0x4: {  	_ = 	snop  }
0x5: {  	_ = 	snop  }
0x6: {  	_ = 	snop  }
0x7: {  	_ = 	snop  }
__scs_overlays_trampoline_lowered:
0x8: {  	[smem:$0x3FA9] =	sst s0  }
0x9: {  	[smem:$0x3FAA] =	sst s1  }
0xa: {  	[smem:$0x3FAB] =	sst s2  }
0xb: {  	[smem:$0x3FAC] =	sst s3  }
0xc: {  	[smem:$0x3FAD] =	sst s4  }
0xd: {  	[smem:$0x3FAE] =	sst s5  }
0xe: {  	[smem:$0x3FAF] =	sst s6  }
0xf: {  	[smem:$0x3FB0] =	sst s7  }
0x10: {  	[smem:$0x3FB1] =	sst s8  }
0x11: {  	[smem:$0x3FB2] =	sst s9;
	s0 =	simm.s32 @!p0 $0x0  }
0x12: {  	s1 =	sld [smem:$0x3F98];
	s0 =	simm.s32 @p0 $0x1  }
0x13: {  	[smem:$0x3FB3] =	sst s0;
	s0 =	simm.s32 @!p1 $0x0  }
0x14: {  	s2 =	sld [smem:$0x3F97];
	s0 =	simm.s32 @p1 $0x1  }
0x15: {  	[smem:$0x3FB4] =	sst s0;
	s0 =	simm.s32 @!p2 $0x0  }
0x16: {  	s3 =	sld [smem:$0x3FDB];
	s0 =	simm.s32 @p2 $0x1  }
0x17: {  	s4 =	simm.s32 $0x1BF5;
	[smem:$0x3FB6] =	sst s0  }
0x18: {  	s0 =	sld [smem:$0x3F99];
	_ =	swait.ge [sflag:s4], $0x0  }
0x19: {  	s7 =	sld [smem:$0x3F9A]  }
0x1a: {  	s8 =	sadd.s32 $0xFFFFE003, lr  }
0x1b: {  	s9 =	sadd.s32 $0xFFFFFEF7, lr;
	s5 =	simm.s32 $0xFFFFFFFF;
	p2 =	slt.u32 s8, $0xFFFFF086  }
0x1c: {  	p1 =	slt.u32 s9, $0xF7A;
	s5 =	simm.s32 @!p2 $0x0  }
0x1d: {  	s5 =	simm.s32 @p1 $0x1;
	p0 =	seq.s32 s7, s2  }
0x1e: {  	s7 =	smul.u32 @!p0 $0xF7A, s2;
	p2 =	seq.s32 @!p0 s5, $0x0  }
0x1f: {  	s9 =	smul.u32 $0xF7A, s1;
	s8 =	simm.s32 @!p0 $0x1BF5;
	p2 =	por !p2, p0  }
0x20: {  	[sflag:s8] =	ssyncset.s32 @!p0 $0xFFFFF086;
	s6 =	sadd.s32 @!p0 s3, s7;
	s7 =	simm.s32 @!p0 $0x108  }
0x21: {  	s3 =	sadd.s32 s3, s9;
	s6 =	sadd.s32 @!p0 $0x88, s6;
	s7 =	simm.s32 @p2 $0x1082  }
0x22: {  	[simem:s7], [sflag:s8] =	dma.local @!p0 [hbm:s6], $0xF7A  }
0x23: {  	s9 =	sor.u32 $0xD0000000, s2;
	s6 =	simm.s32 $0x108;
	_ =	swait.ge @!p0 [sflag:s8], $0x0  }
0x24: {  	s3 =	sadd.s32 $0x88, s3;
	s6 =	simm.s32 @!p1 $0x1082;
	[sflag:s4] =	ssyncset.s32 $0xFFFFF086  }
0x25: {  	[simem:s6], [sflag:s4] =	dma.local [hbm:s3], $0xF7A  }
0x26: {  	[smem:$0x3F9A] =	sst s1;
	(tag) =	ssettag s2;
	_ =	strace s9  }
0x27: {  	s1 =	sld [smem:$0x3FAA]  }
0x28: {  	s2 =	sld [smem:$0x3FAB]  }
0x29: {  	s4 =	sld [smem:$0x3FAD]  }
0x2a: {  	p0 =	seq.s32 s5, $0x0;
	s5 =	sld [smem:$0x3FAE]  }
0x2b: {  	s6 =	sld [smem:$0x3FAF]  }
0x2c: {  	s7 =	sld [smem:$0x3FB0]  }
0x2d: {  	s3 =	simm.s32 $0x108;
	s8 =	sld [smem:$0x3FB1]  }
0x2e: {  	s3 =	simm.s32 @!p0 $0x1082;
	s9 =	sld [smem:$0x3FB2]  }
0x2f: {  	lr =	sadd.s32 s0, s3;
	s0 =	sld [smem:$0x3FA9]  }
0x30: {  	s3 =	sld [smem:$0x3FAC]  }
0x31: {  	[smem:$0x3FB5] =	sst s10  }
0x32: {  	s10 =	sld [smem:$0x3FB3];
	_ =	sdelay $0x3  }
0x33: {  	p0 =	seq.s32 s10, $0x1;
	s10 =	sld [smem:$0x3FB5];
	_ =	sdelay $0x3  }
0x34: {  	[smem:$0x3FB5] =	sst s10  }
0x35: {  	s10 =	sld [smem:$0x3FB4];
	_ =	sdelay $0x3  }
0x36: {  	p1 =	seq.s32 s10, $0x1;
	s10 =	sld [smem:$0x3FB5];
	_ =	sdelay $0x3  }
0x37: {  	[smem:$0x3FB5] =	sst s10  }
0x38: {  	s10 =	sld [smem:$0x3FB6]  }
0x39: {  	_ = 	snop;
	(pc) =	sbr.ind lr, $3  }
0x3a: {  	_ = 	snop  }
0x3b: {  	_ = 	snop  }
0x3c: {  	p2 =	seq.s32 s10, $0x1;
	s10 =	sld [smem:$0x3FB5]  }
0x3d: {  	_ =	shalt  }
0x3e: {  	_ =	shalt  }
0x3f: {  	_ =	shalt  }
0x40: {  	_ =	shalt  }
0x41: {  	_ =	shalt  }
0x42: {  	_ =	shalt  }
0x43: {  	_ =	shalt  }
0x44: {  	_ =	shalt  }
0x45: {  	_ =	shalt  }
0x46: {  	_ =	shalt  }
0x47: {  	_ =	shalt  }
0x48: {  	_ =	shalt  }
0x49: {  	_ =	shalt  }
0x4a: {  	_ =	shalt  }
0x4b: {  	_ =	shalt  }
0x4c: {  	_ =	shalt  }
0x4d: {  	_ =	shalt  }
0x4e: {  	_ =	shalt  }
0x4f: {  	_ =	shalt  }
0x50: {  	_ =	shalt  }
0x51: {  	_ =	shalt  }
0x52: {  	_ =	shalt  }
0x53: {  	_ =	shalt  }
0x54: {  	_ =	shalt  }
0x55: {  	_ =	shalt  }
0x56: {  	_ =	shalt  }
0x57: {  	_ =	shalt  }
0x58: {  	_ =	shalt  }
0x59: {  	_ =	shalt  }
0x5a: {  	_ =	shalt  }
0x5b: {  	_ =	shalt  }
0x5c: {  	_ =	shalt  }
0x5d: {  	_ =	shalt  }
0x5e: {  	_ =	shalt  }
0x5f: {  	_ =	shalt  }
0x60: {  	_ =	shalt  }
0x61: {  	_ =	shalt  }
0x62: {  	_ =	shalt  }
0x63: {  	_ =	shalt  }
0x64: {  	_ =	shalt  }
0x65: {  	_ =	shalt  }
0x66: {  	_ =	shalt  }
0x67: {  	_ =	shalt  }
0x68: {  	_ =	shalt  }
0x69: {  	_ =	shalt  }
0x6a: {  	_ =	shalt  }
0x6b: {  	_ =	shalt  }
0x6c: {  	_ =	shalt  }
0x6d: {  	_ =	shalt  }
0x6e: {  	_ =	shalt  }
0x6f: {  	_ =	shalt  }
0x70: {  	_ =	shalt  }
0x71: {  	_ =	shalt  }
0x72: {  	_ =	shalt  }
0x73: {  	_ =	shalt  }
0x74: {  	_ =	shalt  }
0x75: {  	_ =	shalt  }
0x76: {  	_ =	shalt  }
0x77: {  	_ =	shalt  }
0x78: {  	_ =	shalt  }
0x79: {  	_ =	shalt  }
0x7a: {  	_ =	shalt  }
0x7b: {  	_ =	shalt  }
0x7c: {  	_ =	shalt  }
0x7d: {  	_ =	shalt  }
0x7e: {  	_ =	shalt  }
0x7f: {  	_ =	shalt  }
0x80: {  	_ =	shalt  }
0x81: {  	_ =	shalt  }
0x82: {  	_ =	shalt  }
0x83: {  	_ =	shalt  }
0x84: {  	_ =	shalt  }
0x85: {  	_ =	shalt  }
0x86: {  	_ =	shalt  }
0x87: {  	_ =	shalt  }
.Lfunc_end0:
.L_simem_size_0:
called_computation_lowered:
.L_overlay_start_0:
0x88: {  	s2 =	sld [smem:$0x3FD9]  }
0x89: {  	s3 =	sld [smem:$0x3FFE];
	_ =	sdelay $0x1  }
0x8a: {  	s1 =	srdreg.scid  }
0x8b: {  	s0 =	sand.u32 $0x1, s1  }
0x8c: {  	s17 =	sshll.u32 s0, $0xA;
	s2 =	sadd.s32 s3, s2  }
0x8d: {  	s2 =	sadd.s32 s2, s17  }
0x8e: {  	[smem:$0x3FC1] =	sst s2  }
0x8f: {  	_ = 	snop  }
0x90: {  	s2 =	sld [smem:$0x3FC9]  }
0x91: {  	s18 =	sld [smem:$0x3FC4]  }
0x92: {  	s4 =	sld [smem:$0x3FC3];
	(tm) =	ssettm $0x1  }
0x93: {  	s5 =	sld [smem:$0x3FFB];
	_ =	sdelay $0x3  }
0x94: {  	_ =	strace s5  }
0x95: {  	s5 =	sld [smem:$0x3FFC];
	_ =	sdelay $0x3  }
0x96: {  	_ =	strace s5  }
0x97: {  	s5 =	sld [smem:$0x3FFD];
	_ =	sdelay $0x3  }
0x98: {  	_ =	strace s5  }
0x99: {  	_ =	strace $0x8FFFFFFF  }
0x9a: {  	s19 =	sld [smem:$0x3FDB];
	_ =	sdelay $0x1  }
0x9b: {  	s6 =	simm.s32 $_scs_section_size  }
0x9c: {  	s7 =	simm.s32 $_size__tile_overlayer_lowered;
	s8 =	simm.s32 $_tile_overlayer_lowered  }
0x9d: {  	s22 =	simm.s32 $0x1BFF;
	s21 =	sshll.u32 s8, $0x1;
	s5 =	sadd.s32 s6, s19  }
0x9e: {  	s9 =	simm.s32 $0x0;
	s20 =	sshll.u32 s7, $0x1;
	s7 =	sadd.s32 s21, s5  }
0x9f: {  	[timem:s9], [sflag:s22] =	dma.local [hbm:s7], s20  }
0xa0: {  	_ =	swait.ge [sflag:s22], s20  }
0xa1: {  	s6 =	ssub.s32 $0x0, s20;
	[sflag:s22] =	ssyncset.done $0x0  }
0xa2: {  	[sflag:s22] =	ssyncadd.s32 s6;
	_ =	sdelay $0x1  }
0xa3: {  	s23 =	simm.s32 $0x1B8B  }
0xa4: {  	_ =	swait.ge [sflag:s23], $0x1  }
0xa5: {  	[sflag:s23] =	ssyncset.done $0x0  }
0xa6: {  	s25 =	simm.s32 $0x1B8E;
	s24 =	sld [smem:$0x3FFE];
	[sflag:s23] =	ssyncadd.s32 $0xFFFFFFFF  }
0xa7: {  	s26 =	simm.s32 $execute0_lowered;
	[smem:$0x3FD2] =	sst s25  }
0xa8: {  	s7 =	sshll.u32 s26, $0x1;
	_ =	strace $0x80000046;
	[dreg:$0x1] =	wrdreg $0xFFFFFFFF  }
0xa9: {  	s28 =	simm.s32 $_size_execute0_lowered;
	s5 =	sadd.s32 s5, s7;
	[dreg:$0x0] =	wrdreg $0x0  }
0xaa: {  	s7 =	sshll.u32 s28, $0x1;
	[dreg:$0x2] =	wrdreg s5  }
0xab: {  	[dreg:$0x3] =	wrdreg s7  }
0xac: {  	[dreg:$0x4] =	wrdreg $0xC0  }
0xad: {  	_ =	task [dreg:s9], $0x5FFFF  }
0xae: {  	[dreg:$0x1] =	wrdreg $0xFFFFFFFF  }
0xaf: {  	[dreg:$0x0] =	wrdreg $0x60  }
0xb0: {  	[dreg:$0x2] =	wrdreg s2  }
0xb1: {  	[dreg:$0x3] =	wrdreg s18  }
0xb2: {  	[dreg:$0x4] =	wrdreg s4  }
0xb3: {  	[dreg:$0x5] =	wrdreg s24  }
0xb4: {  	[dreg:$0x6] =	wrdreg $0x9  }
0xb5: {  	_ =	task.clear_ibuf [dreg:s9], $0x7FFFF;
	_ =	strace $0x90000046  }
0xb6: {  	s29 =	simm.s32 $0x9;
	_ =	strace $0x80000048  }
0xb7: {  	_ =	swait.ge [sflag:s29], $0x1  }
0xb8: {  	[sflag:s29] =	ssyncadd.s32 $0xFFFFFFFF  }
0xb9: {  	_ =	strace $0x90000048  }
0xba: {  	_ =	sfence  }
0xbb: {  	s30 =	sld [smem:$0x0];
	_ =	sdelay $0x2  }
0xbc: {  	s31 =	sshll.u32 s1, $0xD;
	s1 =	sshrl.u32 s1, $0x2  }
0xbd: {  	s3 =	sand.u32 $0x4000, s31;
	s1 =	sadd.s32 s1, s30  }
0xbe: {  	s0 =	sor.u32 s3, s0;
	s1 =	sshll.u32 s1, $0x11  }
0xbf: {  	s0 =	sor.u32 s1, s0  }
0xc0: {  	s0 =	sadd.s32 $0x8F2B, s0  }
0xc1: {  	[sflag:s0] =	ssyncadd.remote.s32 $0x1  }
0xc2: {  	_ =	sfence.sel $0xFFFF  }
0xc3: {  	[dreg:$0x0] =	wrdreg $0xFFFFFFFF;
	(pc) =	sbr.abs _section_cstart, $3  }
0xc4: {  	[dreg:$0x1] =	wrdreg $0xFFFFFFFF  }
0xc5: {  	_ =	task.clear_ibuf [dreg:s9], $0x2FFFF;
	_ =	strace $0x9FFFFFFF  }
0xc6: {  	(tm) =	ssettm $0x7FFFFFFF  }
0xc7: {  	_ =	shalt  }
tec
execute0_lowered:
.L_overlay_start_1:
0x0: {  	(tag) =	ssettag $0x1  }
0x1: {  	s1 =	rddreg [dreg:$0x0]  }
0x2: {  	s0 =	rddreg [dreg:$0x1]  }
0x3: {  	s2 =	srdreg.scid;
	s4 =	rddreg [dreg:$0x2]  }
0x4: {  	s3 =	stileid.u32;
	s5 =	rddreg [dreg:$0x3]  }
0x5: {  	s26 =	simm.s32 $0x200;
	s30 =	simm.s32 $0x7;
	s13 =	simm.s32 $0x1  }
0x6: {  	s14 =	simm.s32 $0x4;
	s15 =	simm.s32 $0x2;
	s31 =	simm.s32 $0x5400  }
0x7: {  	s11 =	simm.s32 $0x11400;
	s12 =	simm.s32 $0x11C00;
	s8 =	simm.s32 $0x13400  }
0x8: {  	s9 =	simm.s32 $0x13C00;
	s10 =	simm.s32 $0x14400;
	s2 =	sand.u32 $0x1, s2  }
0x9: {  	s6 =	sshll.u32 s3, $0xA;
	s3 =	simm.s32 $0x0;
	s7 =	sshll.u32 s2, $0x9  }
0xa: {  	s28 =	simm.s32 $0x17400;
	[smem:$0x7FF] =	sst s3;
	s6 =	sor.u32 s7, s6  }
0xb: {  	s29 =	simm.s32 $0x17C00;
	_ =	strace $0x80000047;
	s7 =	sshrl.u32 s6, $0x3  }
0xc: {  	[dreg:$0xf] =	wrdreg s26;
	s6 =	sshll.u32 s6, $0x5;
	s0 =	sadd.s32 s0, s7  }
0xd: {  	s5 =	sadd.s32 s6, s5;
	s16 =	sadd.s32 s4, s7;
	[dreg:$0x5] =	wrdreg s0  }
0xe: {  	s2 =	ssub.s32 $0x2, s2;
	[dreg:$0x6] =	wrdreg s16;
	s17 =	sadd.s32 $0xA00, s5  }
0xf: {  	s24 =	sshrl.u32 s2, $0x1;
	s18 =	sadd.s32 $0x1A00, s5;
	[dreg:$0x7] =	wrdreg s17  }
0x10: {  	s26 =	simm.s32 $0x16C00;
	s19 =	sadd.s32 $0x2A00, s5;
	[dreg:$0x8] =	wrdreg s18  }
0x11: {  	s2 =	ssub.s32 s2, s24;
	s20 =	sadd.s32 $0x3A00, s5;
	[dreg:$0x9] =	wrdreg s19  }
0x12: {  	s24 =	simm.s32 $0x15C00;
	s21 =	sadd.s32 $0x80A00, s5;
	[dreg:$0xa] =	wrdreg s20  }
0x13: {  	s4 =	smax.u32 s2, $0x1;
	s22 =	sadd.s32 $0x81A00, s5;
	[dreg:$0xb] =	wrdreg s21  }
0x14: {  	s6 =	simm.s32 $0x400;
	s23 =	sadd.s32 $0x82A00, s5;
	[dreg:$0xc] =	wrdreg s22  }
0x15: {  	s7 =	simm.s32 $0x12C00;
	s25 =	sadd.s32 $0x83A00, s5;
	[dreg:$0xd] =	wrdreg s23  }
0x16: {  	v2 =	vlaneseq.u32;
	s16 =	simm.s32 $0x5;
	s5 =	simm.s32 $0x10C00;
	[dreg:$0xe] =	wrdreg s25  }
0x17: {  	vm0 =	vmmov $0xffff;
	v1 =	vshrl.u32 v2, $0x3;
	s22 =	simm.s32 $0x8400;
	s17 =	simm.s32 $0x3;
	s18 =	simm.s32 $0x6  }
0x18: {  	v0 =	vand.u32 $0x7, v2;
	v2 =	vor.u32 $0x8, v2;
	v1 =	vmul.u32 $0x8, v1;
	s21 =	simm.s32 $0x14C00;
	s23 =	simm.s32 $0x15400;
	s25 =	simm.s32 $0x16400  }
.LBB2_1:
0x19: {  	s19 =	rddreg [dreg:$0x5]  }
0x1a: {  	[tilespmem:s3], [sflag:$0x7] =	stream.linear.gather [hbm4b:s19+s3], $0x200, $0x38;
	[tilespmem:$0x18400] =	vst v63  }
0x1b: {  	_ =	swait.ge [sflag:s30], $0x200  }
0x1c: {  	s2 =	rddreg [dreg:$0x6];
	[sflag:s30] =	ssyncset.done $0x0  }
0x1d: {  	s20 =	rddreg [dreg:$0xf];
	[sflag:s30] =	ssyncadd.s32 $0xFFFFFE00  }
0x1e: {  	[tilespmem:s20], [sflag:$0x7] =	stream.linear.gather [hbm4b:s2+s3], $0x200, $0x38;
	[tilespmem:$0x18400] =	vst v63  }
0x1f: {  	_ =	swait.ge [sflag:s30], $0x200  }
0x20: {  	[sflag:s30] =	ssyncset.done $0x0  }
0x21: {  	[sflag:s30] =	ssyncadd.s32 $0xFFFFFE00  }
0x22: {  	v3 =	vld [tilespmem:$0x0];
	_ =	sdelay $0x4  }
0x23: {  	v4 =	vshll.u32 v3, $0x1  }
0x24: {  	v3 =	vand.u32 $0x7, v3;
	v4 =	vand.u32 $0xFFFFFFF0, v4  }
0x25: {  	v3 =	vor.u32 v3, v4  }
0x26: {  	v4 =	vperm.xlane v3, v0;
	_ =	sdelay $0x1  }
0x27: {  	v3 =	vperm.xlane v3, v2;
	v4 =	vadd.s32 v1, v4;
	_ =	sdelay $0x1  }
0x28: {  	v3 =	vadd.s32 v1, v3;
	_ =	sdelay $0x2  }
0x29: {  	[tilespmem:s6], [sflag:$0x1] =	stream.indirect_vreg.gather [hbm4b:s1+s3], $0x80, v4, vm0, $0xb8;
	[tilespmem:$0x18400] =	vst v63  }
0x2a: {  	s20 =	simm.s32 $0xC00  }
0x2b: {  	[tilespmem:s20], [sflag:$0x1] =	stream.indirect_vreg.gather [hbm4b:s1+s3], $0x80, v3, vm0, $0xb8;
	[tilespmem:$0x18400] =	vst v63  }
0x2c: {  	v3 =	vld [tilespmem:$0x10];
	_ =	sdelay $0x4  }
0x2d: {  	v57 =	vshll.u32 v3, $0x1  }
0x2e: {  	v3 =	vand.u32 $0x7, v3;
	v4 =	vand.u32 $0xFFFFFFF0, v57  }
0x2f: {  	v3 =	vor.u32 v3, v4  }
0x30: {  	v4 =	vperm.xlane v3, v0;
	_ =	sdelay $0x1  }
0x31: {  	v3 =	vperm.xlane v3, v2;
	v4 =	vadd.s32 v1, v4;
	_ =	sdelay $0x1  }
0x32: {  	v3 =	vadd.s32 v1, v3;
	_ =	sdelay $0x1  }
0x33: {  	s0 =	simm.s32 $0x1400  }
0x34: {  	[tilespmem:s0], [sflag:$0x1] =	stream.indirect_vreg.gather [hbm4b:s1+s3], $0x80, v4, vm0, $0xb8;
	[tilespmem:$0x18400] =	vst v63  }
0x35: {  	s19 =	simm.s32 $0x1C00  }
0x36: {  	[tilespmem:s19], [sflag:$0x1] =	stream.indirect_vreg.gather [hbm4b:s1+s3], $0x80, v3, vm0, $0xb8;
	[tilespmem:$0x18400] =	vst v63  }
0x37: {  	v3 =	vld [tilespmem:$0x20];
	_ =	sdelay $0x4  }
0x38: {  	v58 =	vshll.u32 v3, $0x1  }
0x39: {  	v3 =	vand.u32 $0x7, v3;
	v4 =	vand.u32 $0xFFFFFFF0, v58  }
0x3a: {  	v3 =	vor.u32 v3, v4  }
0x3b: {  	v4 =	vperm.xlane v3, v0;
	_ =	sdelay $0x1  }
0x3c: {  	v3 =	vperm.xlane v3, v2;
	v4 =	vadd.s32 v1, v4;
	_ =	sdelay $0x1  }
0x3d: {  	v3 =	vadd.s32 v1, v3;
	_ =	sdelay $0x1  }
0x3e: {  	s2 =	simm.s32 $0x2400  }
0x3f: {  	[tilespmem:s2], [sflag:$0x1] =	stream.indirect_vreg.gather [hbm4b:s1+s3], $0x80, v4, vm0, $0xb8;
	[tilespmem:$0x18400] =	vst v63  }
0x40: {  	s19 =	simm.s32 $0x2C00  }
0x41: {  	[tilespmem:s19], [sflag:$0x1] =	stream.indirect_vreg.gather [hbm4b:s1+s3], $0x80, v3, vm0, $0xb8;
	[tilespmem:$0x18400] =	vst v63  }
0x42: {  	v3 =	vld [tilespmem:$0x30];
	_ =	sdelay $0x4  }
0x43: {  	v59 =	vshll.u32 v3, $0x1  }
0x44: {  	v3 =	vand.u32 $0x7, v3;
	v4 =	vand.u32 $0xFFFFFFF0, v59  }
0x45: {  	v3 =	vor.u32 v3, v4  }
0x46: {  	v4 =	vperm.xlane v3, v0;
	_ =	sdelay $0x1  }
0x47: {  	v3 =	vperm.xlane v3, v2;
	v4 =	vadd.s32 v1, v4;
	_ =	sdelay $0x1  }
0x48: {  	v3 =	vadd.s32 v1, v3;
	_ =	sdelay $0x1  }
0x49: {  	s2 =	simm.s32 $0x3400  }
0x4a: {  	[tilespmem:s2], [sflag:$0x1] =	stream.indirect_vreg.gather [hbm4b:s1+s3], $0x80, v4, vm0, $0xb8;
	[tilespmem:$0x18400] =	vst v63  }
0x4b: {  	s19 =	simm.s32 $0x3C00  }
0x4c: {  	[tilespmem:s19], [sflag:$0x1] =	stream.indirect_vreg.gather [hbm4b:s1+s3], $0x80, v3, vm0, $0xb8;
	[tilespmem:$0x18400] =	vst v63  }
0x4d: {  	v3 =	vld [tilespmem:$0x40];
	_ =	sdelay $0x4  }
0x4e: {  	v60 =	vshll.u32 v3, $0x1  }
0x4f: {  	v3 =	vand.u32 $0x7, v3;
	v4 =	vand.u32 $0xFFFFFFF0, v60  }
0x50: {  	v3 =	vor.u32 v3, v4  }
0x51: {  	v4 =	vperm.xlane v3, v0;
	_ =	sdelay $0x1  }
0x52: {  	v3 =	vperm.xlane v3, v2;
	v4 =	vadd.s32 v1, v4;
	_ =	sdelay $0x1  }
0x53: {  	v3 =	vadd.s32 v1, v3;
	_ =	sdelay $0x1  }
0x54: {  	s2 =	simm.s32 $0x4400  }
0x55: {  	[tilespmem:s2], [sflag:$0x1] =	stream.indirect_vreg.gather [hbm4b:s1+s3], $0x80, v4, vm0, $0xb8;
	[tilespmem:$0x18400] =	vst v63  }
0x56: {  	s19 =	simm.s32 $0x4C00  }
0x57: {  	[tilespmem:s19], [sflag:$0x1] =	stream.indirect_vreg.gather [hbm4b:s1+s3], $0x80, v3, vm0, $0xb8;
	[tilespmem:$0x18400] =	vst v63  }
0x58: {  	v3 =	vld [tilespmem:$0x50];
	_ =	sdelay $0x4  }
0x59: {  	v61 =	vshll.u32 v3, $0x1  }
0x5a: {  	v3 =	vand.u32 $0x7, v3;
	v4 =	vand.u32 $0xFFFFFFF0, v61  }
0x5b: {  	v3 =	vor.u32 v3, v4  }
0x5c: {  	v4 =	vperm.xlane v3, v0;
	_ =	sdelay $0x1  }
0x5d: {  	v3 =	vperm.xlane v3, v2;
	v4 =	vadd.s32 v1, v4;
	_ =	sdelay $0x1  }
0x5e: {  	v3 =	vadd.s32 v1, v3;
	_ =	sdelay $0x2  }
0x5f: {  	[tilespmem:s31], [sflag:$0x1] =	stream.indirect_vreg.gather [hbm4b:s1+s3], $0x80, v4, vm0, $0xb8;
	[tilespmem:$0x18400] =	vst v63  }
0x60: {  	s2 =	simm.s32 $0x5C00  }
0x61: {  	[tilespmem:s2], [sflag:$0x1] =	stream.indirect_vreg.gather [hbm4b:s1+s3], $0x80, v3, vm0, $0xb8;
	[tilespmem:$0x18400] =	vst v63  }
0x62: {  	v3 =	vld [tilespmem:$0x60];
	_ =	sdelay $0x4  }
0x63: {  	v62 =	vshll.u32 v3, $0x1  }
0x64: {  	v3 =	vand.u32 $0x7, v3;
	v4 =	vand.u32 $0xFFFFFFF0, v62  }
0x65: {  	v3 =	vor.u32 v3, v4  }
0x66: {  	v4 =	vperm.xlane v3, v0;
	_ =	sdelay $0x1  }
0x67: {  	v3 =	vperm.xlane v3, v2;
	v4 =	vadd.s32 v1, v4;
	_ =	sdelay $0x1  }
0x68: {  	v3 =	vadd.s32 v1, v3;
	_ =	sdelay $0x1  }
0x69: {  	s19 =	simm.s32 $0x6400  }
0x6a: {  	[tilespmem:s19], [sflag:$0x1] =	stream.indirect_vreg.gather [hbm4b:s1+s3], $0x80, v4, vm0, $0xb8;
	[tilespmem:$0x18400] =	vst v63  }
0x6b: {  	s2 =	simm.s32 $0x6C00  }
0x6c: {  	[tilespmem:s2], [sflag:$0x1] =	stream.indirect_vreg.gather [hbm4b:s1+s3], $0x80, v3, vm0, $0xb8;
	[tilespmem:$0x18400] =	vst v63  }
0x6d: {  	v3 =	vld [tilespmem:$0x70];
	_ =	sdelay $0x4  }
0x6e: {  	v63 =	vshll.u32 v3, $0x1  }
0x6f: {  	v3 =	vand.u32 $0x7, v3;
	v4 =	vand.u32 $0xFFFFFFF0, v63  }
0x70: {  	v3 =	vor.u32 v3, v4  }
0x71: {  	v4 =	vperm.xlane v3, v0;
	_ =	sdelay $0x1  }
0x72: {  	v3 =	vperm.xlane v3, v2;
	v4 =	vadd.s32 v1, v4;
	_ =	sdelay $0x1  }
0x73: {  	v3 =	vadd.s32 v1, v3;
	_ =	sdelay $0x1  }
0x74: {  	s19 =	simm.s32 $0x7400  }
0x75: {  	[tilespmem:s19], [sflag:$0x1] =	stream.indirect_vreg.gather [hbm4b:s1+s3], $0x80, v4, vm0, $0xb8;
	[tilespmem:$0x18400] =	vst v63  }
0x76: {  	s2 =	simm.s32 $0x7C00  }
0x77: {  	[tilespmem:s2], [sflag:$0x1] =	stream.indirect_vreg.gather [hbm4b:s1+s3], $0x80, v3, vm0, $0xb8;
	[tilespmem:$0x18400] =	vst v63  }
0x78: {  	v3 =	vld [tilespmem:$0x80];
	_ =	sdelay $0x4  }
0x79: {  	v8 =	vshll.u32 v3, $0x1  }
0x7a: {  	v3 =	vand.u32 $0x7, v3;
	v4 =	vand.u32 $0xFFFFFFF0, v8  }
0x7b: {  	v3 =	vor.u32 v3, v4  }
0x7c: {  	v4 =	vperm.xlane v3, v0;
	_ =	sdelay $0x1  }
0x7d: {  	v3 =	vperm.xlane v3, v2;
	v4 =	vadd.s32 v1, v4;
	_ =	sdelay $0x1  }
0x7e: {  	v3 =	vadd.s32 v1, v3;
	_ =	sdelay $0x2  }
0x7f: {  	[tilespmem:s22], [sflag:$0x2] =	stream.indirect_vreg.gather [hbm4b:s1+s3], $0x80, v4, vm0, $0xb8;
	[tilespmem:$0x18400] =	vst v63  }
0x80: {  	s19 =	simm.s32 $0x8C00  }
0x81: {  	[tilespmem:s19], [sflag:$0x2] =	stream.indirect_vreg.gather [hbm4b:s1+s3], $0x80, v3, vm0, $0xb8;
	[tilespmem:$0x18400] =	vst v63  }
0x82: {  	v3 =	vld [tilespmem:$0x90];
	_ =	sdelay $0x4  }
0x83: {  	v9 =	vshll.u32 v3, $0x1  }
0x84: {  	v3 =	vand.u32 $0x7, v3;
	v4 =	vand.u32 $0xFFFFFFF0, v9  }
0x85: {  	v3 =	vor.u32 v3, v4  }
0x86: {  	v4 =	vperm.xlane v3, v0;
	_ =	sdelay $0x1  }
0x87: {  	v3 =	vperm.xlane v3, v2;
	v4 =	vadd.s32 v1, v4;
	_ =	sdelay $0x1  }
0x88: {  	v3 =	vadd.s32 v1, v3;
	_ =	sdelay $0x1  }
0x89: {  	s2 =	simm.s32 $0x9400  }
0x8a: {  	[tilespmem:s2], [sflag:$0x2] =	stream.indirect_vreg.gather [hbm4b:s1+s3], $0x80, v4, vm0, $0xb8;
	[tilespmem:$0x18400] =	vst v63  }
0x8b: {  	s19 =	simm.s32 $0x9C00  }
0x8c: {  	[tilespmem:s19], [sflag:$0x2] =	stream.indirect_vreg.gather [hbm4b:s1+s3], $0x80, v3, vm0, $0xb8;
	[tilespmem:$0x18400] =	vst v63  }
0x8d: {  	v3 =	vld [tilespmem:$0xA0];
	_ =	sdelay $0x4  }
0x8e: {  	v10 =	vshll.u32 v3, $0x1  }
0x8f: {  	v3 =	vand.u32 $0x7, v3;
	v4 =	vand.u32 $0xFFFFFFF0, v10  }
0x90: {  	v3 =	vor.u32 v3, v4  }
0x91: {  	v4 =	vperm.xlane v3, v0;
	_ =	sdelay $0x1  }
0x92: {  	v3 =	vperm.xlane v3, v2;
	v4 =	vadd.s32 v1, v4;
	_ =	sdelay $0x1  }
0x93: {  	v3 =	vadd.s32 v1, v3;
	_ =	sdelay $0x1  }
0x94: {  	s2 =	simm.s32 $0xA400  }
0x95: {  	[tilespmem:s2], [sflag:$0x2] =	stream.indirect_vreg.gather [hbm4b:s1+s3], $0x80, v4, vm0, $0xb8;
	[tilespmem:$0x18400] =	vst v63  }
0x96: {  	s19 =	simm.s32 $0xAC00  }
0x97: {  	[tilespmem:s19], [sflag:$0x2] =	stream.indirect_vreg.gather [hbm4b:s1+s3], $0x80, v3, vm0, $0xb8;
	[tilespmem:$0x18400] =	vst v63  }
0x98: {  	v3 =	vld [tilespmem:$0xB0];
	_ =	sdelay $0x4  }
0x99: {  	v11 =	vshll.u32 v3, $0x1  }
0x9a: {  	v3 =	vand.u32 $0x7, v3;
	v4 =	vand.u32 $0xFFFFFFF0, v11  }
0x9b: {  	v3 =	vor.u32 v3, v4  }
0x9c: {  	v4 =	vperm.xlane v3, v0;
	_ =	sdelay $0x1  }
0x9d: {  	v3 =	vperm.xlane v3, v2;
	v4 =	vadd.s32 v1, v4;
	_ =	sdelay $0x1  }
0x9e: {  	v3 =	vadd.s32 v1, v3;
	_ =	sdelay $0x1  }
0x9f: {  	s2 =	simm.s32 $0xB400  }
0xa0: {  	[tilespmem:s2], [sflag:$0x2] =	stream.indirect_vreg.gather [hbm4b:s1+s3], $0x80, v4, vm0, $0xb8;
	[tilespmem:$0x18400] =	vst v63  }
0xa1: {  	s19 =	simm.s32 $0xBC00  }
0xa2: {  	[tilespmem:s19], [sflag:$0x2] =	stream.indirect_vreg.gather [hbm4b:s1+s3], $0x80, v3, vm0, $0xb8;
	[tilespmem:$0x18400] =	vst v63  }
0xa3: {  	v3 =	vld [tilespmem:$0xC0];
	_ =	sdelay $0x4  }
0xa4: {  	v12 =	vshll.u32 v3, $0x1  }
0xa5: {  	v3 =	vand.u32 $0x7, v3;
	v4 =	vand.u32 $0xFFFFFFF0, v12  }
0xa6: {  	v3 =	vor.u32 v3, v4  }
0xa7: {  	v4 =	vperm.xlane v3, v0;
	_ =	sdelay $0x1  }
0xa8: {  	v3 =	vperm.xlane v3, v2;
	v4 =	vadd.s32 v1, v4;
	_ =	sdelay $0x1  }
0xa9: {  	v3 =	vadd.s32 v1, v3;
	_ =	sdelay $0x1  }
0xaa: {  	s2 =	simm.s32 $0xC400  }
0xab: {  	[tilespmem:s2], [sflag:$0x2] =	stream.indirect_vreg.gather [hbm4b:s1+s3], $0x80, v4, vm0, $0xb8;
	[tilespmem:$0x18400] =	vst v63  }
0xac: {  	s19 =	simm.s32 $0xCC00  }
0xad: {  	[tilespmem:s19], [sflag:$0x2] =	stream.indirect_vreg.gather [hbm4b:s1+s3], $0x80, v3, vm0, $0xb8;
	[tilespmem:$0x18400] =	vst v63  }
0xae: {  	v3 =	vld [tilespmem:$0xD0];
	_ =	sdelay $0x4  }
0xaf: {  	v13 =	vshll.u32 v3, $0x1  }
0xb0: {  	v3 =	vand.u32 $0x7, v3;
	v4 =	vand.u32 $0xFFFFFFF0, v13  }
0xb1: {  	v3 =	vor.u32 v3, v4  }
0xb2: {  	v4 =	vperm.xlane v3, v0;
	_ =	sdelay $0x1  }
0xb3: {  	v3 =	vperm.xlane v3, v2;
	v4 =	vadd.s32 v1, v4;
	_ =	sdelay $0x1  }
0xb4: {  	v3 =	vadd.s32 v1, v3;
	_ =	sdelay $0x1  }
0xb5: {  	s2 =	simm.s32 $0xD400  }
0xb6: {  	[tilespmem:s2], [sflag:$0x2] =	stream.indirect_vreg.gather [hbm4b:s1+s3], $0x80, v4, vm0, $0xb8;
	[tilespmem:$0x18400] =	vst v63  }
0xb7: {  	s19 =	simm.s32 $0xDC00  }
0xb8: {  	[tilespmem:s19], [sflag:$0x2] =	stream.indirect_vreg.gather [hbm4b:s1+s3], $0x80, v3, vm0, $0xb8;
	[tilespmem:$0x18400] =	vst v63  }
0xb9: {  	v3 =	vld [tilespmem:$0xE0];
	_ =	sdelay $0x4  }
0xba: {  	v14 =	vshll.u32 v3, $0x1  }
0xbb: {  	v3 =	vand.u32 $0x7, v3;
	v4 =	vand.u32 $0xFFFFFFF0, v14  }
0xbc: {  	v3 =	vor.u32 v3, v4  }
0xbd: {  	v4 =	vperm.xlane v3, v0;
	_ =	sdelay $0x1  }
0xbe: {  	v3 =	vperm.xlane v3, v2;
	v4 =	vadd.s32 v1, v4;
	_ =	sdelay $0x1  }
0xbf: {  	v3 =	vadd.s32 v1, v3;
	_ =	sdelay $0x1  }
0xc0: {  	s2 =	simm.s32 $0xE400  }
0xc1: {  	[tilespmem:s2], [sflag:$0x2] =	stream.indirect_vreg.gather [hbm4b:s1+s3], $0x80, v4, vm0, $0xb8;
	[tilespmem:$0x18400] =	vst v63  }
0xc2: {  	s19 =	simm.s32 $0xEC00  }
0xc3: {  	[tilespmem:s19], [sflag:$0x2] =	stream.indirect_vreg.gather [hbm4b:s1+s3], $0x80, v3, vm0, $0xb8;
	[tilespmem:$0x18400] =	vst v63  }
0xc4: {  	v3 =	vld [tilespmem:$0xF0];
	_ =	sdelay $0x4  }
0xc5: {  	v15 =	vshll.u32 v3, $0x1  }
0xc6: {  	v3 =	vand.u32 $0x7, v3;
	v4 =	vand.u32 $0xFFFFFFF0, v15  }
0xc7: {  	v3 =	vor.u32 v3, v4  }
0xc8: {  	v4 =	vperm.xlane v3, v0;
	_ =	sdelay $0x1  }
0xc9: {  	v3 =	vperm.xlane v3, v2;
	v4 =	vadd.s32 v1, v4;
	_ =	sdelay $0x1  }
0xca: {  	v3 =	vadd.s32 v1, v3;
	_ =	sdelay $0x1  }
0xcb: {  	s2 =	simm.s32 $0xF400  }
0xcc: {  	[tilespmem:s2], [sflag:$0x2] =	stream.indirect_vreg.gather [hbm4b:s1+s3], $0x80, v4, vm0, $0xb8;
	[tilespmem:$0x18400] =	vst v63  }
0xcd: {  	s19 =	simm.s32 $0xFC00  }
0xce: {  	[tilespmem:s19], [sflag:$0x2] =	stream.indirect_vreg.gather [hbm4b:s1+s3], $0x80, v3, vm0, $0xb8;
	[tilespmem:$0x18400] =	vst v63  }
0xcf: {  	v3 =	vld [tilespmem:$0x100];
	_ =	sdelay $0x4  }
0xd0: {  	v16 =	vshll.u32 v3, $0x1  }
0xd1: {  	v3 =	vand.u32 $0x7, v3;
	v4 =	vand.u32 $0xFFFFFFF0, v16  }
0xd2: {  	v3 =	vor.u32 v3, v4  }
0xd3: {  	v4 =	vperm.xlane v3, v0;
	_ =	sdelay $0x1  }
0xd4: {  	v3 =	vperm.xlane v3, v2;
	v4 =	vadd.s32 v1, v4;
	_ =	sdelay $0x1  }
0xd5: {  	v3 =	vadd.s32 v1, v3;
	_ =	sdelay $0x1  }
0xd6: {  	s0 =	simm.s32 $0x10400  }
0xd7: {  	[tilespmem:s0], [sflag:$0x3] =	stream.indirect_vreg.gather [hbm4b:s1+s3], $0x80, v4, vm0, $0xb8;
	[tilespmem:$0x18400] =	vst v63  }
0xd8: {  	_ = 	snop  }
0xd9: {  	[tilespmem:s5], [sflag:$0x3] =	stream.indirect_vreg.gather [hbm4b:s1+s3], $0x80, v3, vm0, $0xb8;
	[tilespmem:$0x18400] =	vst v63  }
0xda: {  	v3 =	vld [tilespmem:$0x110];
	_ =	sdelay $0x4  }
0xdb: {  	v17 =	vshll.u32 v3, $0x1  }
0xdc: {  	v3 =	vand.u32 $0x7, v3;
	v4 =	vand.u32 $0xFFFFFFF0, v17  }
0xdd: {  	v3 =	vor.u32 v3, v4  }
0xde: {  	v4 =	vperm.xlane v3, v0;
	_ =	sdelay $0x1  }
0xdf: {  	v3 =	vperm.xlane v3, v2;
	v4 =	vadd.s32 v1, v4;
	_ =	sdelay $0x1  }
0xe0: {  	v3 =	vadd.s32 v1, v3;
	_ =	sdelay $0x2  }
0xe1: {  	[tilespmem:s11], [sflag:$0x3] =	stream.indirect_vreg.gather [hbm4b:s1+s3], $0x80, v4, vm0, $0xb8;
	[tilespmem:$0x18400] =	vst v63  }
0xe2: {  	_ = 	snop  }
0xe3: {  	[tilespmem:s12], [sflag:$0x3] =	stream.indirect_vreg.gather [hbm4b:s1+s3], $0x80, v3, vm0, $0xb8;
	[tilespmem:$0x18400] =	vst v63  }
0xe4: {  	v3 =	vld [tilespmem:$0x120];
	_ =	sdelay $0x4  }
0xe5: {  	v18 =	vshll.u32 v3, $0x1  }
0xe6: {  	v3 =	vand.u32 $0x7, v3;
	v4 =	vand.u32 $0xFFFFFFF0, v18  }
0xe7: {  	v3 =	vor.u32 v3, v4  }
0xe8: {  	v4 =	vperm.xlane v3, v0;
	_ =	sdelay $0x1  }
0xe9: {  	v3 =	vperm.xlane v3, v2;
	v4 =	vadd.s32 v1, v4;
	_ =	sdelay $0x1  }
0xea: {  	v3 =	vadd.s32 v1, v3;
	_ =	sdelay $0x1  }
0xeb: {  	s2 =	simm.s32 $0x12400  }
0xec: {  	[tilespmem:s2], [sflag:$0x3] =	stream.indirect_vreg.gather [hbm4b:s1+s3], $0x80, v4, vm0, $0xb8;
	[tilespmem:$0x18400] =	vst v63  }
0xed: {  	_ = 	snop  }
0xee: {  	[tilespmem:s7], [sflag:$0x3] =	stream.indirect_vreg.gather [hbm4b:s1+s3], $0x80, v3, vm0, $0xb8;
	[tilespmem:$0x18400] =	vst v63  }
0xef: {  	v3 =	vld [tilespmem:$0x130];
	_ =	sdelay $0x4  }
0xf0: {  	v19 =	vshll.u32 v3, $0x1  }
0xf1: {  	v3 =	vand.u32 $0x7, v3;
	v4 =	vand.u32 $0xFFFFFFF0, v19  }
0xf2: {  	v3 =	vor.u32 v3, v4  }
0xf3: {  	v4 =	vperm.xlane v3, v0;
	_ =	sdelay $0x1  }
0xf4: {  	v3 =	vperm.xlane v3, v2;
	v4 =	vadd.s32 v1, v4;
	_ =	sdelay $0x1  }
0xf5: {  	v3 =	vadd.s32 v1, v3;
	_ =	sdelay $0x2  }
0xf6: {  	[tilespmem:s8], [sflag:$0x3] =	stream.indirect_vreg.gather [hbm4b:s1+s3], $0x80, v4, vm0, $0xb8;
	[tilespmem:$0x18400] =	vst v63  }
0xf7: {  	_ = 	snop  }
0xf8: {  	[tilespmem:s9], [sflag:$0x3] =	stream.indirect_vreg.gather [hbm4b:s1+s3], $0x80, v3, vm0, $0xb8;
	[tilespmem:$0x18400] =	vst v63  }
0xf9: {  	v3 =	vld [tilespmem:$0x140];
	_ =	sdelay $0x4  }
0xfa: {  	v20 =	vshll.u32 v3, $0x1  }
0xfb: {  	v3 =	vand.u32 $0x7, v3;
	v4 =	vand.u32 $0xFFFFFFF0, v20  }
0xfc: {  	v3 =	vor.u32 v3, v4  }
0xfd: {  	v4 =	vperm.xlane v3, v0;
	_ =	sdelay $0x1  }
0xfe: {  	v3 =	vperm.xlane v3, v2;
	v4 =	vadd.s32 v1, v4;
	_ =	sdelay $0x1  }
0xff: {  	v3 =	vadd.s32 v1, v3;
	_ =	sdelay $0x2  }
0x100: {  	[tilespmem:s10], [sflag:$0x3] =	stream.indirect_vreg.gather [hbm4b:s1+s3], $0x80, v4, vm0, $0xb8;
	[tilespmem:$0x18400] =	vst v63  }
0x101: {  	_ = 	snop  }
0x102: {  	[tilespmem:s21], [sflag:$0x3] =	stream.indirect_vreg.gather [hbm4b:s1+s3], $0x80, v3, vm0, $0xb8;
	[tilespmem:$0x18400] =	vst v63  }
0x103: {  	v3 =	vld [tilespmem:$0x150];
	_ =	sdelay $0x4  }
0x104: {  	v21 =	vshll.u32 v3, $0x1  }
0x105: {  	v3 =	vand.u32 $0x7, v3;
	v4 =	vand.u32 $0xFFFFFFF0, v21  }
0x106: {  	v3 =	vor.u32 v3, v4  }
0x107: {  	v4 =	vperm.xlane v3, v0;
	_ =	sdelay $0x1  }
0x108: {  	v3 =	vperm.xlane v3, v2;
	v4 =	vadd.s32 v1, v4;
	_ =	sdelay $0x1  }
0x109: {  	v3 =	vadd.s32 v1, v3;
	_ =	sdelay $0x2  }
0x10a: {  	[tilespmem:s23], [sflag:$0x3] =	stream.indirect_vreg.gather [hbm4b:s1+s3], $0x80, v4, vm0, $0xb8;
	[tilespmem:$0x18400] =	vst v63  }
0x10b: {  	_ = 	snop  }
0x10c: {  	[tilespmem:s24], [sflag:$0x3] =	stream.indirect_vreg.gather [hbm4b:s1+s3], $0x80, v3, vm0, $0xb8;
	[tilespmem:$0x18400] =	vst v63  }
0x10d: {  	v3 =	vld [tilespmem:$0x160];
	_ =	sdelay $0x4  }
0x10e: {  	v22 =	vshll.u32 v3, $0x1  }
0x10f: {  	v3 =	vand.u32 $0x7, v3;
	v4 =	vand.u32 $0xFFFFFFF0, v22  }
0x110: {  	v3 =	vor.u32 v3, v4  }
0x111: {  	v4 =	vperm.xlane v3, v0;
	_ =	sdelay $0x1  }
0x112: {  	v3 =	vperm.xlane v3, v2;
	v4 =	vadd.s32 v1, v4;
	_ =	sdelay $0x1  }
0x113: {  	v3 =	vadd.s32 v1, v3;
	_ =	sdelay $0x2  }
0x114: {  	[tilespmem:s25], [sflag:$0x3] =	stream.indirect_vreg.gather [hbm4b:s1+s3], $0x80, v4, vm0, $0xb8;
	[tilespmem:$0x18400] =	vst v63  }
0x115: {  	_ = 	snop  }
0x116: {  	[tilespmem:s26], [sflag:$0x3] =	stream.indirect_vreg.gather [hbm4b:s1+s3], $0x80, v3, vm0, $0xb8;
	[tilespmem:$0x18400] =	vst v63  }
0x117: {  	v3 =	vld [tilespmem:$0x170];
	_ =	sdelay $0x4  }
0x118: {  	v23 =	vshll.u32 v3, $0x1  }
0x119: {  	v3 =	vand.u32 $0x7, v3;
	v4 =	vand.u32 $0xFFFFFFF0, v23  }
0x11a: {  	v3 =	vor.u32 v3, v4  }
0x11b: {  	v4 =	vperm.xlane v3, v0;
	_ =	sdelay $0x1  }
0x11c: {  	v3 =	vperm.xlane v3, v2;
	v4 =	vadd.s32 v1, v4;
	_ =	sdelay $0x1  }
0x11d: {  	v3 =	vadd.s32 v1, v3;
	_ =	sdelay $0x2  }
0x11e: {  	[tilespmem:s28], [sflag:$0x3] =	stream.indirect_vreg.gather [hbm4b:s1+s3], $0x80, v4, vm0, $0xb8;
	[tilespmem:$0x18400] =	vst v63  }
0x11f: {  	_ = 	snop  }
0x120: {  	[tilespmem:s29], [sflag:$0x3] =	stream.indirect_vreg.gather [hbm4b:s1+s3], $0x80, v3, vm0, $0xb8;
	[tilespmem:$0x18400] =	vst v63  }
0x121: {  	_ =	swait.ge [sflag:s13], $0x8000  }
0x122: {  	[sflag:s13] =	ssyncset.done $0x0  }
0x123: {  	s19 =	rddreg [dreg:$0x7];
	[sflag:s13] =	ssyncadd.s32 $0xFFFF8000  }
0x124: {  	[hbm4b:s19+s3] =	stream.linear.scatter [tilespmem:s6], [sflag:$0x4], $0x8000, $0x38;
	[tilespmem:$0x18400] =	vst v63  }
0x125: {  	_ =	swait.ge [sflag:s14], $0x8000  }
0x126: {  	[sflag:s14] =	ssyncset.done $0x0  }
0x127: {  	[sflag:s14] =	ssyncadd.s32 $0xFFFF8000  }
0x128: {  	v3 =	vld [tilespmem:$0x180];
	_ =	sdelay $0x4  }
0x129: {  	v24 =	vshll.u32 v3, $0x1  }
0x12a: {  	v3 =	vand.u32 $0x7, v3;
	v4 =	vand.u32 $0xFFFFFFF0, v24  }
0x12b: {  	v3 =	vor.u32 v3, v4  }
0x12c: {  	v4 =	vperm.xlane v3, v0;
	_ =	sdelay $0x1  }
0x12d: {  	v3 =	vperm.xlane v3, v2;
	v4 =	vadd.s32 v1, v4;
	_ =	sdelay $0x1  }
0x12e: {  	v3 =	vadd.s32 v1, v3;
	_ =	sdelay $0x2  }
0x12f: {  	[tilespmem:s6], [sflag:$0x1] =	stream.indirect_vreg.gather [hbm4b:s1+s3], $0x80, v4, vm0, $0xb8;
	[tilespmem:$0x18400] =	vst v63  }
0x130: {  	_ = 	snop  }
0x131: {  	[tilespmem:s20], [sflag:$0x1] =	stream.indirect_vreg.gather [hbm4b:s1+s3], $0x80, v3, vm0, $0xb8;
	[tilespmem:$0x18400] =	vst v63  }
0x132: {  	v3 =	vld [tilespmem:$0x190];
	_ =	sdelay $0x4  }
0x133: {  	v25 =	vshll.u32 v3, $0x1  }
0x134: {  	v3 =	vand.u32 $0x7, v3;
	v4 =	vand.u32 $0xFFFFFFF0, v25  }
0x135: {  	v3 =	vor.u32 v3, v4  }
0x136: {  	v4 =	vperm.xlane v3, v0;
	_ =	sdelay $0x1  }
0x137: {  	v3 =	vperm.xlane v3, v2;
	v4 =	vadd.s32 v1, v4;
	_ =	sdelay $0x1  }
0x138: {  	v3 =	vadd.s32 v1, v3;
	_ =	sdelay $0x1  }
0x139: {  	s19 =	simm.s32 $0x1400  }
0x13a: {  	[tilespmem:s19], [sflag:$0x1] =	stream.indirect_vreg.gather [hbm4b:s1+s3], $0x80, v4, vm0, $0xb8;
	[tilespmem:$0x18400] =	vst v63  }
0x13b: {  	s19 =	simm.s32 $0x1C00  }
0x13c: {  	[tilespmem:s19], [sflag:$0x1] =	stream.indirect_vreg.gather [hbm4b:s1+s3], $0x80, v3, vm0, $0xb8;
	[tilespmem:$0x18400] =	vst v63  }
0x13d: {  	v3 =	vld [tilespmem:$0x1A0];
	_ =	sdelay $0x4  }
0x13e: {  	v26 =	vshll.u32 v3, $0x1  }
0x13f: {  	v3 =	vand.u32 $0x7, v3;
	v4 =	vand.u32 $0xFFFFFFF0, v26  }
0x140: {  	v3 =	vor.u32 v3, v4  }
0x141: {  	v4 =	vperm.xlane v3, v0;
	_ =	sdelay $0x1  }
0x142: {  	v3 =	vperm.xlane v3, v2;
	v4 =	vadd.s32 v1, v4;
	_ =	sdelay $0x1  }
0x143: {  	v3 =	vadd.s32 v1, v3;
	_ =	sdelay $0x1  }
0x144: {  	s19 =	simm.s32 $0x2400  }
0x145: {  	[tilespmem:s19], [sflag:$0x1] =	stream.indirect_vreg.gather [hbm4b:s1+s3], $0x80, v4, vm0, $0xb8;
	[tilespmem:$0x18400] =	vst v63  }
0x146: {  	s19 =	simm.s32 $0x2C00  }
0x147: {  	[tilespmem:s19], [sflag:$0x1] =	stream.indirect_vreg.gather [hbm4b:s1+s3], $0x80, v3, vm0, $0xb8;
	[tilespmem:$0x18400] =	vst v63  }
0x148: {  	v3 =	vld [tilespmem:$0x1B0];
	_ =	sdelay $0x4  }
0x149: {  	v27 =	vshll.u32 v3, $0x1  }
0x14a: {  	v3 =	vand.u32 $0x7, v3;
	v4 =	vand.u32 $0xFFFFFFF0, v27  }
0x14b: {  	v3 =	vor.u32 v3, v4  }
0x14c: {  	v4 =	vperm.xlane v3, v0;
	_ =	sdelay $0x1  }
0x14d: {  	v3 =	vperm.xlane v3, v2;
	v4 =	vadd.s32 v1, v4;
	_ =	sdelay $0x1  }
0x14e: {  	v3 =	vadd.s32 v1, v3;
	_ =	sdelay $0x1  }
0x14f: {  	s19 =	simm.s32 $0x3400  }
0x150: {  	[tilespmem:s19], [sflag:$0x1] =	stream.indirect_vreg.gather [hbm4b:s1+s3], $0x80, v4, vm0, $0xb8;
	[tilespmem:$0x18400] =	vst v63  }
0x151: {  	s19 =	simm.s32 $0x3C00  }
0x152: {  	[tilespmem:s19], [sflag:$0x1] =	stream.indirect_vreg.gather [hbm4b:s1+s3], $0x80, v3, vm0, $0xb8;
	[tilespmem:$0x18400] =	vst v63  }
0x153: {  	v3 =	vld [tilespmem:$0x1C0];
	_ =	sdelay $0x4  }
0x154: {  	v28 =	vshll.u32 v3, $0x1  }
0x155: {  	v3 =	vand.u32 $0x7, v3;
	v4 =	vand.u32 $0xFFFFFFF0, v28  }
0x156: {  	v3 =	vor.u32 v3, v4  }
0x157: {  	v4 =	vperm.xlane v3, v0;
	_ =	sdelay $0x1  }
0x158: {  	v3 =	vperm.xlane v3, v2;
	v4 =	vadd.s32 v1, v4;
	_ =	sdelay $0x1  }
0x159: {  	v3 =	vadd.s32 v1, v3;
	_ =	sdelay $0x1  }
0x15a: {  	s19 =	simm.s32 $0x4400  }
0x15b: {  	[tilespmem:s19], [sflag:$0x1] =	stream.indirect_vreg.gather [hbm4b:s1+s3], $0x80, v4, vm0, $0xb8;
	[tilespmem:$0x18400] =	vst v63  }
0x15c: {  	s19 =	simm.s32 $0x4C00  }
0x15d: {  	[tilespmem:s19], [sflag:$0x1] =	stream.indirect_vreg.gather [hbm4b:s1+s3], $0x80, v3, vm0, $0xb8;
	[tilespmem:$0x18400] =	vst v63  }
0x15e: {  	v3 =	vld [tilespmem:$0x1D0];
	_ =	sdelay $0x4  }
0x15f: {  	v29 =	vshll.u32 v3, $0x1  }
0x160: {  	v3 =	vand.u32 $0x7, v3;
	v4 =	vand.u32 $0xFFFFFFF0, v29  }
0x161: {  	v3 =	vor.u32 v3, v4  }
0x162: {  	v4 =	vperm.xlane v3, v0;
	_ =	sdelay $0x1  }
0x163: {  	v3 =	vperm.xlane v3, v2;
	v4 =	vadd.s32 v1, v4;
	_ =	sdelay $0x1  }
0x164: {  	v3 =	vadd.s32 v1, v3;
	_ =	sdelay $0x2  }
0x165: {  	[tilespmem:s31], [sflag:$0x1] =	stream.indirect_vreg.gather [hbm4b:s1+s3], $0x80, v4, vm0, $0xb8;
	[tilespmem:$0x18400] =	vst v63  }
0x166: {  	s19 =	simm.s32 $0x5C00  }
0x167: {  	[tilespmem:s19], [sflag:$0x1] =	stream.indirect_vreg.gather [hbm4b:s1+s3], $0x80, v3, vm0, $0xb8;
	[tilespmem:$0x18400] =	vst v63  }
0x168: {  	v3 =	vld [tilespmem:$0x1E0];
	_ =	sdelay $0x4  }
0x169: {  	v30 =	vshll.u32 v3, $0x1  }
0x16a: {  	v3 =	vand.u32 $0x7, v3;
	v4 =	vand.u32 $0xFFFFFFF0, v30  }
0x16b: {  	v3 =	vor.u32 v3, v4  }
0x16c: {  	v4 =	vperm.xlane v3, v0;
	_ =	sdelay $0x1  }
0x16d: {  	v3 =	vperm.xlane v3, v2;
	v4 =	vadd.s32 v1, v4;
	_ =	sdelay $0x1  }
0x16e: {  	v3 =	vadd.s32 v1, v3;
	_ =	sdelay $0x1  }
0x16f: {  	s19 =	simm.s32 $0x6400  }
0x170: {  	[tilespmem:s19], [sflag:$0x1] =	stream.indirect_vreg.gather [hbm4b:s1+s3], $0x80, v4, vm0, $0xb8;
	[tilespmem:$0x18400] =	vst v63  }
0x171: {  	s19 =	simm.s32 $0x6C00  }
0x172: {  	[tilespmem:s19], [sflag:$0x1] =	stream.indirect_vreg.gather [hbm4b:s1+s3], $0x80, v3, vm0, $0xb8;
	[tilespmem:$0x18400] =	vst v63  }
0x173: {  	v3 =	vld [tilespmem:$0x1F0];
	_ =	sdelay $0x4  }
0x174: {  	v31 =	vshll.u32 v3, $0x1  }
0x175: {  	v3 =	vand.u32 $0x7, v3;
	v4 =	vand.u32 $0xFFFFFFF0, v31  }
0x176: {  	v3 =	vor.u32 v3, v4  }
0x177: {  	v4 =	vperm.xlane v3, v0;
	_ =	sdelay $0x1  }
0x178: {  	v3 =	vperm.xlane v3, v2;
	v4 =	vadd.s32 v1, v4;
	_ =	sdelay $0x1  }
0x179: {  	v3 =	vadd.s32 v1, v3;
	_ =	sdelay $0x1  }
0x17a: {  	s19 =	simm.s32 $0x7400  }
0x17b: {  	[tilespmem:s19], [sflag:$0x1] =	stream.indirect_vreg.gather [hbm4b:s1+s3], $0x80, v4, vm0, $0xb8;
	[tilespmem:$0x18400] =	vst v63  }
0x17c: {  	s19 =	simm.s32 $0x7C00  }
0x17d: {  	[tilespmem:s19], [sflag:$0x1] =	stream.indirect_vreg.gather [hbm4b:s1+s3], $0x80, v3, vm0, $0xb8;
	[tilespmem:$0x18400] =	vst v63  }
0x17e: {  	_ =	swait.ge [sflag:s15], $0x8000  }
0x17f: {  	[sflag:s15] =	ssyncset.done $0x0  }
0x180: {  	s19 =	rddreg [dreg:$0x8];
	[sflag:s15] =	ssyncadd.s32 $0xFFFF8000  }
0x181: {  	[hbm4b:s19+s3] =	stream.linear.scatter [tilespmem:s22], [sflag:$0x5], $0x8000, $0x38;
	[tilespmem:$0x18400] =	vst v63  }
0x182: {  	_ =	swait.ge [sflag:s16], $0x8000  }
0x183: {  	[sflag:s16] =	ssyncset.done $0x0  }
0x184: {  	[sflag:s16] =	ssyncadd.s32 $0xFFFF8000  }
0x185: {  	v3 =	vld [tilespmem:$0x200];
	_ =	sdelay $0x4  }
0x186: {  	v32 =	vshll.u32 v3, $0x1  }
0x187: {  	v3 =	vand.u32 $0x7, v3;
	v4 =	vand.u32 $0xFFFFFFF0, v32  }
0x188: {  	v3 =	vor.u32 v3, v4  }
0x189: {  	v4 =	vperm.xlane v3, v0;
	_ =	sdelay $0x1  }
0x18a: {  	v3 =	vperm.xlane v3, v2;
	v4 =	vadd.s32 v1, v4;
	_ =	sdelay $0x1  }
0x18b: {  	v3 =	vadd.s32 v1, v3;
	_ =	sdelay $0x2  }
0x18c: {  	[tilespmem:s22], [sflag:$0x2] =	stream.indirect_vreg.gather [hbm4b:s1+s3], $0x80, v4, vm0, $0xb8;
	[tilespmem:$0x18400] =	vst v63  }
0x18d: {  	s19 =	simm.s32 $0x8C00  }
0x18e: {  	[tilespmem:s19], [sflag:$0x2] =	stream.indirect_vreg.gather [hbm4b:s1+s3], $0x80, v3, vm0, $0xb8;
	[tilespmem:$0x18400] =	vst v63  }
0x18f: {  	v3 =	vld [tilespmem:$0x210];
	_ =	sdelay $0x4  }
0x190: {  	v33 =	vshll.u32 v3, $0x1  }
0x191: {  	v3 =	vand.u32 $0x7, v3;
	v4 =	vand.u32 $0xFFFFFFF0, v33  }
0x192: {  	v3 =	vor.u32 v3, v4  }
0x193: {  	v4 =	vperm.xlane v3, v0;
	_ =	sdelay $0x1  }
0x194: {  	v3 =	vperm.xlane v3, v2;
	v4 =	vadd.s32 v1, v4;
	_ =	sdelay $0x1  }
0x195: {  	v3 =	vadd.s32 v1, v3;
	_ =	sdelay $0x1  }
0x196: {  	s19 =	simm.s32 $0x9400  }
0x197: {  	[tilespmem:s19], [sflag:$0x2] =	stream.indirect_vreg.gather [hbm4b:s1+s3], $0x80, v4, vm0, $0xb8;
	[tilespmem:$0x18400] =	vst v63  }
0x198: {  	s19 =	simm.s32 $0x9C00  }
0x199: {  	[tilespmem:s19], [sflag:$0x2] =	stream.indirect_vreg.gather [hbm4b:s1+s3], $0x80, v3, vm0, $0xb8;
	[tilespmem:$0x18400] =	vst v63  }
0x19a: {  	v3 =	vld [tilespmem:$0x220];
	_ =	sdelay $0x4  }
0x19b: {  	v34 =	vshll.u32 v3, $0x1  }
0x19c: {  	v3 =	vand.u32 $0x7, v3;
	v4 =	vand.u32 $0xFFFFFFF0, v34  }
0x19d: {  	v3 =	vor.u32 v3, v4  }
0x19e: {  	v4 =	vperm.xlane v3, v0;
	_ =	sdelay $0x1  }
0x19f: {  	v3 =	vperm.xlane v3, v2;
	v4 =	vadd.s32 v1, v4;
	_ =	sdelay $0x1  }
0x1a0: {  	v3 =	vadd.s32 v1, v3;
	_ =	sdelay $0x1  }
0x1a1: {  	s19 =	simm.s32 $0xA400  }
0x1a2: {  	[tilespmem:s19], [sflag:$0x2] =	stream.indirect_vreg.gather [hbm4b:s1+s3], $0x80, v4, vm0, $0xb8;
	[tilespmem:$0x18400] =	vst v63  }
0x1a3: {  	s19 =	simm.s32 $0xAC00  }
0x1a4: {  	[tilespmem:s19], [sflag:$0x2] =	stream.indirect_vreg.gather [hbm4b:s1+s3], $0x80, v3, vm0, $0xb8;
	[tilespmem:$0x18400] =	vst v63  }
0x1a5: {  	v3 =	vld [tilespmem:$0x230];
	_ =	sdelay $0x4  }
0x1a6: {  	v35 =	vshll.u32 v3, $0x1  }
0x1a7: {  	v3 =	vand.u32 $0x7, v3;
	v4 =	vand.u32 $0xFFFFFFF0, v35  }
0x1a8: {  	v3 =	vor.u32 v3, v4  }
0x1a9: {  	v4 =	vperm.xlane v3, v0;
	_ =	sdelay $0x1  }
0x1aa: {  	v3 =	vperm.xlane v3, v2;
	v4 =	vadd.s32 v1, v4;
	_ =	sdelay $0x1  }
0x1ab: {  	v3 =	vadd.s32 v1, v3;
	_ =	sdelay $0x1  }
0x1ac: {  	s19 =	simm.s32 $0xB400  }
0x1ad: {  	[tilespmem:s19], [sflag:$0x2] =	stream.indirect_vreg.gather [hbm4b:s1+s3], $0x80, v4, vm0, $0xb8;
	[tilespmem:$0x18400] =	vst v63  }
0x1ae: {  	s19 =	simm.s32 $0xBC00  }
0x1af: {  	[tilespmem:s19], [sflag:$0x2] =	stream.indirect_vreg.gather [hbm4b:s1+s3], $0x80, v3, vm0, $0xb8;
	[tilespmem:$0x18400] =	vst v63  }
0x1b0: {  	v3 =	vld [tilespmem:$0x240];
	_ =	sdelay $0x4  }
0x1b1: {  	v36 =	vshll.u32 v3, $0x1  }
0x1b2: {  	v3 =	vand.u32 $0x7, v3;
	v4 =	vand.u32 $0xFFFFFFF0, v36  }
0x1b3: {  	v3 =	vor.u32 v3, v4  }
0x1b4: {  	v4 =	vperm.xlane v3, v0;
	_ =	sdelay $0x1  }
0x1b5: {  	v3 =	vperm.xlane v3, v2;
	v4 =	vadd.s32 v1, v4;
	_ =	sdelay $0x1  }
0x1b6: {  	v3 =	vadd.s32 v1, v3;
	_ =	sdelay $0x1  }
0x1b7: {  	s19 =	simm.s32 $0xC400  }
0x1b8: {  	[tilespmem:s19], [sflag:$0x2] =	stream.indirect_vreg.gather [hbm4b:s1+s3], $0x80, v4, vm0, $0xb8;
	[tilespmem:$0x18400] =	vst v63  }
0x1b9: {  	s19 =	simm.s32 $0xCC00  }
0x1ba: {  	[tilespmem:s19], [sflag:$0x2] =	stream.indirect_vreg.gather [hbm4b:s1+s3], $0x80, v3, vm0, $0xb8;
	[tilespmem:$0x18400] =	vst v63  }
0x1bb: {  	v3 =	vld [tilespmem:$0x250];
	_ =	sdelay $0x4  }
0x1bc: {  	v37 =	vshll.u32 v3, $0x1  }
0x1bd: {  	v3 =	vand.u32 $0x7, v3;
	v4 =	vand.u32 $0xFFFFFFF0, v37  }
0x1be: {  	v3 =	vor.u32 v3, v4  }
0x1bf: {  	v4 =	vperm.xlane v3, v0;
	_ =	sdelay $0x1  }
0x1c0: {  	v3 =	vperm.xlane v3, v2;
	v4 =	vadd.s32 v1, v4;
	_ =	sdelay $0x1  }
0x1c1: {  	v3 =	vadd.s32 v1, v3;
	_ =	sdelay $0x1  }
0x1c2: {  	s19 =	simm.s32 $0xD400  }
0x1c3: {  	[tilespmem:s19], [sflag:$0x2] =	stream.indirect_vreg.gather [hbm4b:s1+s3], $0x80, v4, vm0, $0xb8;
	[tilespmem:$0x18400] =	vst v63  }
0x1c4: {  	s19 =	simm.s32 $0xDC00  }
0x1c5: {  	[tilespmem:s19], [sflag:$0x2] =	stream.indirect_vreg.gather [hbm4b:s1+s3], $0x80, v3, vm0, $0xb8;
	[tilespmem:$0x18400] =	vst v63  }
0x1c6: {  	v3 =	vld [tilespmem:$0x260];
	_ =	sdelay $0x4  }
0x1c7: {  	v38 =	vshll.u32 v3, $0x1  }
0x1c8: {  	v3 =	vand.u32 $0x7, v3;
	v4 =	vand.u32 $0xFFFFFFF0, v38  }
0x1c9: {  	v3 =	vor.u32 v3, v4  }
0x1ca: {  	v4 =	vperm.xlane v3, v0;
	_ =	sdelay $0x1  }
0x1cb: {  	v3 =	vperm.xlane v3, v2;
	v4 =	vadd.s32 v1, v4;
	_ =	sdelay $0x1  }
0x1cc: {  	v3 =	vadd.s32 v1, v3;
	_ =	sdelay $0x1  }
0x1cd: {  	s19 =	simm.s32 $0xE400  }
0x1ce: {  	[tilespmem:s19], [sflag:$0x2] =	stream.indirect_vreg.gather [hbm4b:s1+s3], $0x80, v4, vm0, $0xb8;
	[tilespmem:$0x18400] =	vst v63  }
0x1cf: {  	s19 =	simm.s32 $0xEC00  }
0x1d0: {  	[tilespmem:s19], [sflag:$0x2] =	stream.indirect_vreg.gather [hbm4b:s1+s3], $0x80, v3, vm0, $0xb8;
	[tilespmem:$0x18400] =	vst v63  }
0x1d1: {  	v3 =	vld [tilespmem:$0x270];
	_ =	sdelay $0x4  }
0x1d2: {  	v39 =	vshll.u32 v3, $0x1  }
0x1d3: {  	v3 =	vand.u32 $0x7, v3;
	v4 =	vand.u32 $0xFFFFFFF0, v39  }
0x1d4: {  	v3 =	vor.u32 v3, v4  }
0x1d5: {  	v4 =	vperm.xlane v3, v0;
	_ =	sdelay $0x1  }
0x1d6: {  	v3 =	vperm.xlane v3, v2;
	v4 =	vadd.s32 v1, v4;
	_ =	sdelay $0x1  }
0x1d7: {  	v3 =	vadd.s32 v1, v3;
	_ =	sdelay $0x1  }
0x1d8: {  	s19 =	simm.s32 $0xF400  }
0x1d9: {  	[tilespmem:s19], [sflag:$0x2] =	stream.indirect_vreg.gather [hbm4b:s1+s3], $0x80, v4, vm0, $0xb8;
	[tilespmem:$0x18400] =	vst v63  }
0x1da: {  	s19 =	simm.s32 $0xFC00  }
0x1db: {  	[tilespmem:s19], [sflag:$0x2] =	stream.indirect_vreg.gather [hbm4b:s1+s3], $0x80, v3, vm0, $0xb8;
	[tilespmem:$0x18400] =	vst v63  }
0x1dc: {  	_ =	swait.ge [sflag:s17], $0x8000  }
0x1dd: {  	[sflag:s17] =	ssyncset.done $0x0  }
0x1de: {  	s19 =	rddreg [dreg:$0x9];
	[sflag:s17] =	ssyncadd.s32 $0xFFFF8000  }
0x1df: {  	[hbm4b:s19+s3] =	stream.linear.scatter [tilespmem:s0], [sflag:$0x6], $0x8000, $0x38;
	[tilespmem:$0x18400] =	vst v63  }
0x1e0: {  	_ =	swait.ge [sflag:s18], $0x8000  }
0x1e1: {  	[sflag:s18] =	ssyncset.done $0x0  }
0x1e2: {  	[sflag:s18] =	ssyncadd.s32 $0xFFFF8000  }
0x1e3: {  	v3 =	vld [tilespmem:$0x280];
	_ =	sdelay $0x4  }
0x1e4: {  	v40 =	vshll.u32 v3, $0x1  }
0x1e5: {  	v3 =	vand.u32 $0x7, v3;
	v4 =	vand.u32 $0xFFFFFFF0, v40  }
0x1e6: {  	v3 =	vor.u32 v3, v4  }
0x1e7: {  	v4 =	vperm.xlane v3, v0;
	_ =	sdelay $0x1  }
0x1e8: {  	v3 =	vperm.xlane v3, v2;
	v4 =	vadd.s32 v1, v4;
	_ =	sdelay $0x1  }
0x1e9: {  	v3 =	vadd.s32 v1, v3;
	_ =	sdelay $0x2  }
0x1ea: {  	[tilespmem:s0], [sflag:$0x3] =	stream.indirect_vreg.gather [hbm4b:s1+s3], $0x80, v4, vm0, $0xb8;
	[tilespmem:$0x18400] =	vst v63  }
0x1eb: {  	_ = 	snop  }
0x1ec: {  	[tilespmem:s5], [sflag:$0x3] =	stream.indirect_vreg.gather [hbm4b:s1+s3], $0x80, v3, vm0, $0xb8;
	[tilespmem:$0x18400] =	vst v63  }
0x1ed: {  	v3 =	vld [tilespmem:$0x290];
	_ =	sdelay $0x4  }
0x1ee: {  	v41 =	vshll.u32 v3, $0x1  }
0x1ef: {  	v3 =	vand.u32 $0x7, v3;
	v4 =	vand.u32 $0xFFFFFFF0, v41  }
0x1f0: {  	v3 =	vor.u32 v3, v4  }
0x1f1: {  	v4 =	vperm.xlane v3, v0;
	_ =	sdelay $0x1  }
0x1f2: {  	v3 =	vperm.xlane v3, v2;
	v4 =	vadd.s32 v1, v4;
	_ =	sdelay $0x1  }
0x1f3: {  	v3 =	vadd.s32 v1, v3;
	_ =	sdelay $0x2  }
0x1f4: {  	[tilespmem:s11], [sflag:$0x3] =	stream.indirect_vreg.gather [hbm4b:s1+s3], $0x80, v4, vm0, $0xb8;
	[tilespmem:$0x18400] =	vst v63  }
0x1f5: {  	_ = 	snop  }
0x1f6: {  	[tilespmem:s12], [sflag:$0x3] =	stream.indirect_vreg.gather [hbm4b:s1+s3], $0x80, v3, vm0, $0xb8;
	[tilespmem:$0x18400] =	vst v63  }
0x1f7: {  	v3 =	vld [tilespmem:$0x2A0];
	_ =	sdelay $0x4  }
0x1f8: {  	v42 =	vshll.u32 v3, $0x1  }
0x1f9: {  	v3 =	vand.u32 $0x7, v3;
	v4 =	vand.u32 $0xFFFFFFF0, v42  }
0x1fa: {  	v3 =	vor.u32 v3, v4  }
0x1fb: {  	v4 =	vperm.xlane v3, v0;
	_ =	sdelay $0x1  }
0x1fc: {  	v3 =	vperm.xlane v3, v2;
	v4 =	vadd.s32 v1, v4;
	_ =	sdelay $0x1  }
0x1fd: {  	v3 =	vadd.s32 v1, v3;
	_ =	sdelay $0x2  }
0x1fe: {  	[tilespmem:s2], [sflag:$0x3] =	stream.indirect_vreg.gather [hbm4b:s1+s3], $0x80, v4, vm0, $0xb8;
	[tilespmem:$0x18400] =	vst v63  }
0x1ff: {  	_ = 	snop  }
0x200: {  	[tilespmem:s7], [sflag:$0x3] =	stream.indirect_vreg.gather [hbm4b:s1+s3], $0x80, v3, vm0, $0xb8;
	[tilespmem:$0x18400] =	vst v63  }
0x201: {  	v3 =	vld [tilespmem:$0x2B0];
	_ =	sdelay $0x4  }
0x202: {  	v43 =	vshll.u32 v3, $0x1  }
0x203: {  	v3 =	vand.u32 $0x7, v3;
	v4 =	vand.u32 $0xFFFFFFF0, v43  }
0x204: {  	v3 =	vor.u32 v3, v4  }
0x205: {  	v4 =	vperm.xlane v3, v0;
	_ =	sdelay $0x1  }
0x206: {  	v3 =	vperm.xlane v3, v2;
	v4 =	vadd.s32 v1, v4;
	_ =	sdelay $0x1  }
0x207: {  	v3 =	vadd.s32 v1, v3;
	_ =	sdelay $0x2  }
0x208: {  	[tilespmem:s8], [sflag:$0x3] =	stream.indirect_vreg.gather [hbm4b:s1+s3], $0x80, v4, vm0, $0xb8;
	[tilespmem:$0x18400] =	vst v63  }
0x209: {  	_ = 	snop  }
0x20a: {  	[tilespmem:s9], [sflag:$0x3] =	stream.indirect_vreg.gather [hbm4b:s1+s3], $0x80, v3, vm0, $0xb8;
	[tilespmem:$0x18400] =	vst v63  }
0x20b: {  	v3 =	vld [tilespmem:$0x2C0];
	_ =	sdelay $0x4  }
0x20c: {  	v44 =	vshll.u32 v3, $0x1  }
0x20d: {  	v3 =	vand.u32 $0x7, v3;
	v4 =	vand.u32 $0xFFFFFFF0, v44  }
0x20e: {  	v3 =	vor.u32 v3, v4  }
0x20f: {  	v4 =	vperm.xlane v3, v0;
	_ =	sdelay $0x1  }
0x210: {  	v3 =	vperm.xlane v3, v2;
	v4 =	vadd.s32 v1, v4;
	_ =	sdelay $0x1  }
0x211: {  	v3 =	vadd.s32 v1, v3;
	_ =	sdelay $0x2  }
0x212: {  	[tilespmem:s10], [sflag:$0x3] =	stream.indirect_vreg.gather [hbm4b:s1+s3], $0x80, v4, vm0, $0xb8;
	[tilespmem:$0x18400] =	vst v63  }
0x213: {  	_ = 	snop  }
0x214: {  	[tilespmem:s21], [sflag:$0x3] =	stream.indirect_vreg.gather [hbm4b:s1+s3], $0x80, v3, vm0, $0xb8;
	[tilespmem:$0x18400] =	vst v63  }
0x215: {  	v3 =	vld [tilespmem:$0x2D0];
	_ =	sdelay $0x4  }
0x216: {  	v45 =	vshll.u32 v3, $0x1  }
0x217: {  	v3 =	vand.u32 $0x7, v3;
	v4 =	vand.u32 $0xFFFFFFF0, v45  }
0x218: {  	v3 =	vor.u32 v3, v4  }
0x219: {  	v4 =	vperm.xlane v3, v0;
	_ =	sdelay $0x1  }
0x21a: {  	v3 =	vperm.xlane v3, v2;
	v4 =	vadd.s32 v1, v4;
	_ =	sdelay $0x1  }
0x21b: {  	v3 =	vadd.s32 v1, v3;
	_ =	sdelay $0x2  }
0x21c: {  	[tilespmem:s23], [sflag:$0x3] =	stream.indirect_vreg.gather [hbm4b:s1+s3], $0x80, v4, vm0, $0xb8;
	[tilespmem:$0x18400] =	vst v63  }
0x21d: {  	_ = 	snop  }
0x21e: {  	[tilespmem:s24], [sflag:$0x3] =	stream.indirect_vreg.gather [hbm4b:s1+s3], $0x80, v3, vm0, $0xb8;
	[tilespmem:$0x18400] =	vst v63  }
0x21f: {  	v3 =	vld [tilespmem:$0x2E0];
	_ =	sdelay $0x4  }
0x220: {  	v46 =	vshll.u32 v3, $0x1  }
0x221: {  	v3 =	vand.u32 $0x7, v3;
	v4 =	vand.u32 $0xFFFFFFF0, v46  }
0x222: {  	v3 =	vor.u32 v3, v4  }
0x223: {  	v4 =	vperm.xlane v3, v0;
	_ =	sdelay $0x1  }
0x224: {  	v3 =	vperm.xlane v3, v2;
	v4 =	vadd.s32 v1, v4;
	_ =	sdelay $0x1  }
0x225: {  	v3 =	vadd.s32 v1, v3;
	_ =	sdelay $0x2  }
0x226: {  	[tilespmem:s25], [sflag:$0x3] =	stream.indirect_vreg.gather [hbm4b:s1+s3], $0x80, v4, vm0, $0xb8;
	[tilespmem:$0x18400] =	vst v63  }
0x227: {  	_ = 	snop  }
0x228: {  	[tilespmem:s26], [sflag:$0x3] =	stream.indirect_vreg.gather [hbm4b:s1+s3], $0x80, v3, vm0, $0xb8;
	[tilespmem:$0x18400] =	vst v63  }
0x229: {  	v3 =	vld [tilespmem:$0x2F0];
	_ =	sdelay $0x4  }
0x22a: {  	v47 =	vshll.u32 v3, $0x1  }
0x22b: {  	v3 =	vand.u32 $0x7, v3;
	v4 =	vand.u32 $0xFFFFFFF0, v47  }
0x22c: {  	v3 =	vor.u32 v3, v4  }
0x22d: {  	v4 =	vperm.xlane v3, v0;
	_ =	sdelay $0x1  }
0x22e: {  	v3 =	vperm.xlane v3, v2;
	v4 =	vadd.s32 v1, v4;
	_ =	sdelay $0x1  }
0x22f: {  	v3 =	vadd.s32 v1, v3;
	_ =	sdelay $0x2  }
0x230: {  	[tilespmem:s28], [sflag:$0x3] =	stream.indirect_vreg.gather [hbm4b:s1+s3], $0x80, v4, vm0, $0xb8;
	[tilespmem:$0x18400] =	vst v63  }
0x231: {  	_ = 	snop  }
0x232: {  	[tilespmem:s29], [sflag:$0x3] =	stream.indirect_vreg.gather [hbm4b:s1+s3], $0x80, v3, vm0, $0xb8;
	[tilespmem:$0x18400] =	vst v63  }
0x233: {  	_ =	swait.ge [sflag:s13], $0x8000  }
0x234: {  	[sflag:s13] =	ssyncset.done $0x0  }
0x235: {  	s2 =	rddreg [dreg:$0xa];
	[sflag:s13] =	ssyncadd.s32 $0xFFFF8000  }
0x236: {  	[hbm4b:s2+s3] =	stream.linear.scatter [tilespmem:s6], [sflag:$0x4], $0x8000, $0x38;
	[tilespmem:$0x18400] =	vst v63  }
0x237: {  	_ =	swait.ge [sflag:s14], $0x8000  }
0x238: {  	[sflag:s14] =	ssyncset.done $0x0  }
0x239: {  	[sflag:s14] =	ssyncadd.s32 $0xFFFF8000  }
0x23a: {  	v3 =	vld [tilespmem:$0x300];
	_ =	sdelay $0x4  }
0x23b: {  	v48 =	vshll.u32 v3, $0x1  }
0x23c: {  	v3 =	vand.u32 $0x7, v3;
	v4 =	vand.u32 $0xFFFFFFF0, v48  }
0x23d: {  	v3 =	vor.u32 v3, v4  }
0x23e: {  	v4 =	vperm.xlane v3, v0;
	_ =	sdelay $0x1  }
0x23f: {  	v3 =	vperm.xlane v3, v2;
	v4 =	vadd.s32 v1, v4;
	_ =	sdelay $0x1  }
0x240: {  	v3 =	vadd.s32 v1, v3;
	_ =	sdelay $0x2  }
0x241: {  	[tilespmem:s6], [sflag:$0x1] =	stream.indirect_vreg.gather [hbm4b:s1+s3], $0x80, v4, vm0, $0xb8;
	[tilespmem:$0x18400] =	vst v63  }
0x242: {  	_ = 	snop  }
0x243: {  	[tilespmem:s20], [sflag:$0x1] =	stream.indirect_vreg.gather [hbm4b:s1+s3], $0x80, v3, vm0, $0xb8;
	[tilespmem:$0x18400] =	vst v63  }
0x244: {  	v3 =	vld [tilespmem:$0x310];
	_ =	sdelay $0x4  }
0x245: {  	v49 =	vshll.u32 v3, $0x1  }
0x246: {  	v3 =	vand.u32 $0x7, v3;
	v4 =	vand.u32 $0xFFFFFFF0, v49  }
0x247: {  	v3 =	vor.u32 v3, v4  }
0x248: {  	v4 =	vperm.xlane v3, v0;
	_ =	sdelay $0x1  }
0x249: {  	v3 =	vperm.xlane v3, v2;
	v4 =	vadd.s32 v1, v4;
	_ =	sdelay $0x1  }
0x24a: {  	v3 =	vadd.s32 v1, v3;
	_ =	sdelay $0x1  }
0x24b: {  	s20 =	simm.s32 $0x1400  }
0x24c: {  	[tilespmem:s20], [sflag:$0x1] =	stream.indirect_vreg.gather [hbm4b:s1+s3], $0x80, v4, vm0, $0xb8;
	[tilespmem:$0x18400] =	vst v63  }
0x24d: {  	s19 =	simm.s32 $0x1C00  }
0x24e: {  	[tilespmem:s19], [sflag:$0x1] =	stream.indirect_vreg.gather [hbm4b:s1+s3], $0x80, v3, vm0, $0xb8;
	[tilespmem:$0x18400] =	vst v63  }
0x24f: {  	v3 =	vld [tilespmem:$0x320];
	_ =	sdelay $0x4  }
0x250: {  	v50 =	vshll.u32 v3, $0x1  }
0x251: {  	v3 =	vand.u32 $0x7, v3;
	v4 =	vand.u32 $0xFFFFFFF0, v50  }
0x252: {  	v3 =	vor.u32 v3, v4  }
0x253: {  	v4 =	vperm.xlane v3, v0;
	_ =	sdelay $0x1  }
0x254: {  	v3 =	vperm.xlane v3, v2;
	v4 =	vadd.s32 v1, v4;
	_ =	sdelay $0x1  }
0x255: {  	v3 =	vadd.s32 v1, v3;
	_ =	sdelay $0x1  }
0x256: {  	s20 =	simm.s32 $0x2400  }
0x257: {  	[tilespmem:s20], [sflag:$0x1] =	stream.indirect_vreg.gather [hbm4b:s1+s3], $0x80, v4, vm0, $0xb8;
	[tilespmem:$0x18400] =	vst v63  }
0x258: {  	s19 =	simm.s32 $0x2C00  }
0x259: {  	[tilespmem:s19], [sflag:$0x1] =	stream.indirect_vreg.gather [hbm4b:s1+s3], $0x80, v3, vm0, $0xb8;
	[tilespmem:$0x18400] =	vst v63  }
0x25a: {  	v3 =	vld [tilespmem:$0x330];
	_ =	sdelay $0x4  }
0x25b: {  	v51 =	vshll.u32 v3, $0x1  }
0x25c: {  	v3 =	vand.u32 $0x7, v3;
	v4 =	vand.u32 $0xFFFFFFF0, v51  }
0x25d: {  	v3 =	vor.u32 v3, v4  }
0x25e: {  	v4 =	vperm.xlane v3, v0;
	_ =	sdelay $0x1  }
0x25f: {  	v3 =	vperm.xlane v3, v2;
	v4 =	vadd.s32 v1, v4;
	_ =	sdelay $0x1  }
0x260: {  	v3 =	vadd.s32 v1, v3;
	_ =	sdelay $0x1  }
0x261: {  	s20 =	simm.s32 $0x3400  }
0x262: {  	[tilespmem:s20], [sflag:$0x1] =	stream.indirect_vreg.gather [hbm4b:s1+s3], $0x80, v4, vm0, $0xb8;
	[tilespmem:$0x18400] =	vst v63  }
0x263: {  	s19 =	simm.s32 $0x3C00  }
0x264: {  	[tilespmem:s19], [sflag:$0x1] =	stream.indirect_vreg.gather [hbm4b:s1+s3], $0x80, v3, vm0, $0xb8;
	[tilespmem:$0x18400] =	vst v63  }
0x265: {  	v3 =	vld [tilespmem:$0x340];
	_ =	sdelay $0x4  }
0x266: {  	v52 =	vshll.u32 v3, $0x1  }
0x267: {  	v3 =	vand.u32 $0x7, v3;
	v4 =	vand.u32 $0xFFFFFFF0, v52  }
0x268: {  	v3 =	vor.u32 v3, v4  }
0x269: {  	v4 =	vperm.xlane v3, v0;
	_ =	sdelay $0x1  }
0x26a: {  	v3 =	vperm.xlane v3, v2;
	v4 =	vadd.s32 v1, v4;
	_ =	sdelay $0x1  }
0x26b: {  	v3 =	vadd.s32 v1, v3;
	_ =	sdelay $0x1  }
0x26c: {  	s20 =	simm.s32 $0x4400  }
0x26d: {  	[tilespmem:s20], [sflag:$0x1] =	stream.indirect_vreg.gather [hbm4b:s1+s3], $0x80, v4, vm0, $0xb8;
	[tilespmem:$0x18400] =	vst v63  }
0x26e: {  	s19 =	simm.s32 $0x4C00  }
0x26f: {  	[tilespmem:s19], [sflag:$0x1] =	stream.indirect_vreg.gather [hbm4b:s1+s3], $0x80, v3, vm0, $0xb8;
	[tilespmem:$0x18400] =	vst v63  }
0x270: {  	v3 =	vld [tilespmem:$0x350];
	_ =	sdelay $0x4  }
0x271: {  	v53 =	vshll.u32 v3, $0x1  }
0x272: {  	v3 =	vand.u32 $0x7, v3;
	v4 =	vand.u32 $0xFFFFFFF0, v53  }
0x273: {  	v3 =	vor.u32 v3, v4  }
0x274: {  	v4 =	vperm.xlane v3, v0;
	_ =	sdelay $0x1  }
0x275: {  	v3 =	vperm.xlane v3, v2;
	v4 =	vadd.s32 v1, v4;
	_ =	sdelay $0x1  }
0x276: {  	v3 =	vadd.s32 v1, v3;
	_ =	sdelay $0x2  }
0x277: {  	[tilespmem:s31], [sflag:$0x1] =	stream.indirect_vreg.gather [hbm4b:s1+s3], $0x80, v4, vm0, $0xb8;
	[tilespmem:$0x18400] =	vst v63  }
0x278: {  	s20 =	simm.s32 $0x5C00  }
0x279: {  	[tilespmem:s20], [sflag:$0x1] =	stream.indirect_vreg.gather [hbm4b:s1+s3], $0x80, v3, vm0, $0xb8;
	[tilespmem:$0x18400] =	vst v63  }
0x27a: {  	v3 =	vld [tilespmem:$0x360];
	_ =	sdelay $0x4  }
0x27b: {  	v54 =	vshll.u32 v3, $0x1  }
0x27c: {  	v3 =	vand.u32 $0x7, v3;
	v4 =	vand.u32 $0xFFFFFFF0, v54  }
0x27d: {  	v3 =	vor.u32 v3, v4  }
0x27e: {  	v4 =	vperm.xlane v3, v0;
	_ =	sdelay $0x1  }
0x27f: {  	v3 =	vperm.xlane v3, v2;
	v4 =	vadd.s32 v1, v4;
	_ =	sdelay $0x1  }
0x280: {  	v3 =	vadd.s32 v1, v3;
	_ =	sdelay $0x1  }
0x281: {  	s19 =	simm.s32 $0x6400  }
0x282: {  	[tilespmem:s19], [sflag:$0x1] =	stream.indirect_vreg.gather [hbm4b:s1+s3], $0x80, v4, vm0, $0xb8;
	[tilespmem:$0x18400] =	vst v63  }
0x283: {  	s20 =	simm.s32 $0x6C00  }
0x284: {  	[tilespmem:s20], [sflag:$0x1] =	stream.indirect_vreg.gather [hbm4b:s1+s3], $0x80, v3, vm0, $0xb8;
	[tilespmem:$0x18400] =	vst v63  }
0x285: {  	v3 =	vld [tilespmem:$0x370];
	_ =	sdelay $0x4  }
0x286: {  	v55 =	vshll.u32 v3, $0x1  }
0x287: {  	v3 =	vand.u32 $0x7, v3;
	v4 =	vand.u32 $0xFFFFFFF0, v55  }
0x288: {  	v3 =	vor.u32 v3, v4  }
0x289: {  	v4 =	vperm.xlane v3, v0;
	_ =	sdelay $0x1  }
0x28a: {  	v3 =	vperm.xlane v3, v2;
	v4 =	vadd.s32 v1, v4;
	_ =	sdelay $0x1  }
0x28b: {  	v3 =	vadd.s32 v1, v3;
	_ =	sdelay $0x1  }
0x28c: {  	s19 =	simm.s32 $0x7400  }
0x28d: {  	[tilespmem:s19], [sflag:$0x1] =	stream.indirect_vreg.gather [hbm4b:s1+s3], $0x80, v4, vm0, $0xb8;
	[tilespmem:$0x18400] =	vst v63  }
0x28e: {  	s20 =	simm.s32 $0x7C00  }
0x28f: {  	[tilespmem:s20], [sflag:$0x1] =	stream.indirect_vreg.gather [hbm4b:s1+s3], $0x80, v3, vm0, $0xb8;
	[tilespmem:$0x18400] =	vst v63  }
0x290: {  	_ =	swait.ge [sflag:s15], $0x8000  }
0x291: {  	[sflag:s15] =	ssyncset.done $0x0  }
0x292: {  	s2 =	rddreg [dreg:$0xb];
	[sflag:s15] =	ssyncadd.s32 $0xFFFF8000  }
0x293: {  	[hbm4b:s2+s3] =	stream.linear.scatter [tilespmem:s22], [sflag:$0x5], $0x8000, $0x38;
	[tilespmem:$0x18400] =	vst v63  }
0x294: {  	_ =	swait.ge [sflag:s16], $0x8000  }
0x295: {  	[sflag:s16] =	ssyncset.done $0x0  }
0x296: {  	[sflag:s16] =	ssyncadd.s32 $0xFFFF8000  }
0x297: {  	v3 =	vld [tilespmem:$0x380];
	_ =	sdelay $0x4  }
0x298: {  	v56 =	vshll.u32 v3, $0x1  }
0x299: {  	v3 =	vand.u32 $0x7, v3;
	v4 =	vand.u32 $0xFFFFFFF0, v56  }
0x29a: {  	v3 =	vor.u32 v3, v4  }
0x29b: {  	v4 =	vperm.xlane v3, v0;
	_ =	sdelay $0x1  }
0x29c: {  	v3 =	vperm.xlane v3, v2;
	v4 =	vadd.s32 v1, v4;
	_ =	sdelay $0x1  }
0x29d: {  	v3 =	vadd.s32 v1, v3;
	_ =	sdelay $0x2  }
0x29e: {  	[tilespmem:s22], [sflag:$0x2] =	stream.indirect_vreg.gather [hbm4b:s1+s3], $0x80, v4, vm0, $0xb8;
	[tilespmem:$0x18400] =	vst v63  }
0x29f: {  	s19 =	simm.s32 $0x8C00  }
0x2a0: {  	[tilespmem:s19], [sflag:$0x2] =	stream.indirect_vreg.gather [hbm4b:s1+s3], $0x80, v3, vm0, $0xb8;
	[tilespmem:$0x18400] =	vst v63  }
0x2a1: {  	v3 =	vld [tilespmem:$0x390];
	_ =	sdelay $0x4  }
0x2a2: {  	v57 =	vshll.u32 v3, $0x1  }
0x2a3: {  	v3 =	vand.u32 $0x7, v3;
	v4 =	vand.u32 $0xFFFFFFF0, v57  }
0x2a4: {  	v3 =	vor.u32 v3, v4  }
0x2a5: {  	v4 =	vperm.xlane v3, v0;
	_ =	sdelay $0x1  }
0x2a6: {  	v3 =	vperm.xlane v3, v2;
	v4 =	vadd.s32 v1, v4;
	_ =	sdelay $0x1  }
0x2a7: {  	v3 =	vadd.s32 v1, v3;
	_ =	sdelay $0x1  }
0x2a8: {  	s20 =	simm.s32 $0x9400  }
0x2a9: {  	[tilespmem:s20], [sflag:$0x2] =	stream.indirect_vreg.gather [hbm4b:s1+s3], $0x80, v4, vm0, $0xb8;
	[tilespmem:$0x18400] =	vst v63  }
0x2aa: {  	s19 =	simm.s32 $0x9C00  }
0x2ab: {  	[tilespmem:s19], [sflag:$0x2] =	stream.indirect_vreg.gather [hbm4b:s1+s3], $0x80, v3, vm0, $0xb8;
	[tilespmem:$0x18400] =	vst v63  }
0x2ac: {  	v3 =	vld [tilespmem:$0x3A0];
	_ =	sdelay $0x4  }
0x2ad: {  	v58 =	vshll.u32 v3, $0x1  }
0x2ae: {  	v3 =	vand.u32 $0x7, v3;
	v4 =	vand.u32 $0xFFFFFFF0, v58  }
0x2af: {  	v3 =	vor.u32 v3, v4  }
0x2b0: {  	v4 =	vperm.xlane v3, v0;
	_ =	sdelay $0x1  }
0x2b1: {  	v3 =	vperm.xlane v3, v2;
	v4 =	vadd.s32 v1, v4;
	_ =	sdelay $0x1  }
0x2b2: {  	v3 =	vadd.s32 v1, v3;
	_ =	sdelay $0x1  }
0x2b3: {  	s20 =	simm.s32 $0xA400  }
0x2b4: {  	[tilespmem:s20], [sflag:$0x2] =	stream.indirect_vreg.gather [hbm4b:s1+s3], $0x80, v4, vm0, $0xb8;
	[tilespmem:$0x18400] =	vst v63  }
0x2b5: {  	s19 =	simm.s32 $0xAC00  }
0x2b6: {  	[tilespmem:s19], [sflag:$0x2] =	stream.indirect_vreg.gather [hbm4b:s1+s3], $0x80, v3, vm0, $0xb8;
	[tilespmem:$0x18400] =	vst v63  }
0x2b7: {  	v3 =	vld [tilespmem:$0x3B0];
	_ =	sdelay $0x4  }
0x2b8: {  	v59 =	vshll.u32 v3, $0x1  }
0x2b9: {  	v3 =	vand.u32 $0x7, v3;
	v4 =	vand.u32 $0xFFFFFFF0, v59  }
0x2ba: {  	v3 =	vor.u32 v3, v4  }
0x2bb: {  	v4 =	vperm.xlane v3, v0;
	_ =	sdelay $0x1  }
0x2bc: {  	v3 =	vperm.xlane v3, v2;
	v4 =	vadd.s32 v1, v4;
	_ =	sdelay $0x1  }
0x2bd: {  	v3 =	vadd.s32 v1, v3;
	_ =	sdelay $0x1  }
0x2be: {  	s20 =	simm.s32 $0xB400  }
0x2bf: {  	[tilespmem:s20], [sflag:$0x2] =	stream.indirect_vreg.gather [hbm4b:s1+s3], $0x80, v4, vm0, $0xb8;
	[tilespmem:$0x18400] =	vst v63  }
0x2c0: {  	s19 =	simm.s32 $0xBC00  }
0x2c1: {  	[tilespmem:s19], [sflag:$0x2] =	stream.indirect_vreg.gather [hbm4b:s1+s3], $0x80, v3, vm0, $0xb8;
	[tilespmem:$0x18400] =	vst v63  }
0x2c2: {  	v3 =	vld [tilespmem:$0x3C0];
	_ =	sdelay $0x4  }
0x2c3: {  	v60 =	vshll.u32 v3, $0x1  }
0x2c4: {  	v3 =	vand.u32 $0x7, v3;
	v4 =	vand.u32 $0xFFFFFFF0, v60  }
0x2c5: {  	v3 =	vor.u32 v3, v4  }
0x2c6: {  	v4 =	vperm.xlane v3, v0;
	_ =	sdelay $0x1  }
0x2c7: {  	v3 =	vperm.xlane v3, v2;
	v4 =	vadd.s32 v1, v4;
	_ =	sdelay $0x1  }
0x2c8: {  	v3 =	vadd.s32 v1, v3;
	_ =	sdelay $0x1  }
0x2c9: {  	s20 =	simm.s32 $0xC400  }
0x2ca: {  	[tilespmem:s20], [sflag:$0x2] =	stream.indirect_vreg.gather [hbm4b:s1+s3], $0x80, v4, vm0, $0xb8;
	[tilespmem:$0x18400] =	vst v63  }
0x2cb: {  	s19 =	simm.s32 $0xCC00  }
0x2cc: {  	[tilespmem:s19], [sflag:$0x2] =	stream.indirect_vreg.gather [hbm4b:s1+s3], $0x80, v3, vm0, $0xb8;
	[tilespmem:$0x18400] =	vst v63  }
0x2cd: {  	v3 =	vld [tilespmem:$0x3D0];
	_ =	sdelay $0x4  }
0x2ce: {  	v61 =	vshll.u32 v3, $0x1  }
0x2cf: {  	v3 =	vand.u32 $0x7, v3;
	v4 =	vand.u32 $0xFFFFFFF0, v61  }
0x2d0: {  	v3 =	vor.u32 v3, v4  }
0x2d1: {  	v4 =	vperm.xlane v3, v0;
	_ =	sdelay $0x1  }
0x2d2: {  	v3 =	vperm.xlane v3, v2;
	v4 =	vadd.s32 v1, v4;
	_ =	sdelay $0x1  }
0x2d3: {  	v3 =	vadd.s32 v1, v3;
	_ =	sdelay $0x1  }
0x2d4: {  	s20 =	simm.s32 $0xD400  }
0x2d5: {  	[tilespmem:s20], [sflag:$0x2] =	stream.indirect_vreg.gather [hbm4b:s1+s3], $0x80, v4, vm0, $0xb8;
	[tilespmem:$0x18400] =	vst v63  }
0x2d6: {  	s19 =	simm.s32 $0xDC00  }
0x2d7: {  	[tilespmem:s19], [sflag:$0x2] =	stream.indirect_vreg.gather [hbm4b:s1+s3], $0x80, v3, vm0, $0xb8;
	[tilespmem:$0x18400] =	vst v63  }
0x2d8: {  	v3 =	vld [tilespmem:$0x3E0];
	_ =	sdelay $0x4  }
0x2d9: {  	v62 =	vshll.u32 v3, $0x1  }
0x2da: {  	v3 =	vand.u32 $0x7, v3;
	v4 =	vand.u32 $0xFFFFFFF0, v62  }
0x2db: {  	v3 =	vor.u32 v3, v4  }
0x2dc: {  	v4 =	vperm.xlane v3, v0;
	_ =	sdelay $0x1  }
0x2dd: {  	v3 =	vperm.xlane v3, v2;
	v4 =	vadd.s32 v1, v4;
	_ =	sdelay $0x1  }
0x2de: {  	v3 =	vadd.s32 v1, v3;
	_ =	sdelay $0x1  }
0x2df: {  	s20 =	simm.s32 $0xE400  }
0x2e0: {  	[tilespmem:s20], [sflag:$0x2] =	stream.indirect_vreg.gather [hbm4b:s1+s3], $0x80, v4, vm0, $0xb8;
	[tilespmem:$0x18400] =	vst v63  }
0x2e1: {  	s19 =	simm.s32 $0xEC00  }
0x2e2: {  	[tilespmem:s19], [sflag:$0x2] =	stream.indirect_vreg.gather [hbm4b:s1+s3], $0x80, v3, vm0, $0xb8;
	[tilespmem:$0x18400] =	vst v63  }
0x2e3: {  	v3 =	vld [tilespmem:$0x3F0];
	_ =	sdelay $0x4  }
0x2e4: {  	v63 =	vshll.u32 v3, $0x1  }
0x2e5: {  	v3 =	vand.u32 $0x7, v3;
	v4 =	vand.u32 $0xFFFFFFF0, v63  }
0x2e6: {  	v3 =	vor.u32 v3, v4  }
0x2e7: {  	v4 =	vperm.xlane v3, v0;
	_ =	sdelay $0x1  }
0x2e8: {  	v3 =	vperm.xlane v3, v2;
	v4 =	vadd.s32 v1, v4;
	_ =	sdelay $0x1  }
0x2e9: {  	v3 =	vadd.s32 v1, v3;
	_ =	sdelay $0x1  }
0x2ea: {  	s20 =	simm.s32 $0xF400  }
0x2eb: {  	[tilespmem:s20], [sflag:$0x2] =	stream.indirect_vreg.gather [hbm4b:s1+s3], $0x80, v4, vm0, $0xb8;
	[tilespmem:$0x18400] =	vst v63  }
0x2ec: {  	s19 =	simm.s32 $0xFC00  }
0x2ed: {  	[tilespmem:s19], [sflag:$0x2] =	stream.indirect_vreg.gather [hbm4b:s1+s3], $0x80, v3, vm0, $0xb8;
	[tilespmem:$0x18400] =	vst v63  }
0x2ee: {  	_ =	swait.ge [sflag:s17], $0x8000  }
0x2ef: {  	[sflag:s17] =	ssyncset.done $0x0  }
0x2f0: {  	s20 =	rddreg [dreg:$0xc];
	[sflag:s17] =	ssyncadd.s32 $0xFFFF8000  }
0x2f1: {  	[hbm4b:s20+s3] =	stream.linear.scatter [tilespmem:s0], [sflag:$0x6], $0x8000, $0x38;
	[tilespmem:$0x18400] =	vst v63  }
0x2f2: {  	_ =	swait.ge [sflag:s13], $0x8000  }
0x2f3: {  	[sflag:s13] =	ssyncset.done $0x0  }
0x2f4: {  	s2 =	rddreg [dreg:$0xd];
	[sflag:s13] =	ssyncadd.s32 $0xFFFF8000  }
0x2f5: {  	[hbm4b:s2+s3] =	stream.linear.scatter [tilespmem:s6], [sflag:$0x4], $0x8000, $0x38;
	[tilespmem:$0x18400] =	vst v63  }
0x2f6: {  	_ =	swait.ge [sflag:s15], $0x8000  }
0x2f7: {  	[sflag:s15] =	ssyncset.done $0x0  }
0x2f8: {  	s20 =	rddreg [dreg:$0xe];
	[sflag:s15] =	ssyncadd.s32 $0xFFFF8000  }
0x2f9: {  	[hbm4b:s20+s3] =	stream.linear.scatter [tilespmem:s22], [sflag:$0x5], $0x8000, $0x38;
	[tilespmem:$0x18400] =	vst v63  }
0x2fa: {  	_ =	swait.ge [sflag:s18], $0x8000  }
0x2fb: {  	[sflag:s18] =	ssyncset.done $0x0  }
0x2fc: {  	[sflag:s18] =	ssyncadd.s32 $0xFFFF8000  }
0x2fd: {  	p0 =	sne.s32 s4, $0x1;
	_ =	swait.ge [sflag:s14], $0x8000  }
.Ltmp0:
0x2fe: {  	[sflag:s14] =	ssyncset.done $0x0;
	(pc) =	sbr.rel @p0 .LBB2_1-.Ltmp0, $4  }
0x2ff: {  	[sflag:s14] =	ssyncadd.s32 $0xFFFF8000  }
0x300: {  	_ =	swait.ge [sflag:s16], $0x8000  }
0x301: {  	[sflag:s16] =	ssyncset.done $0x0  }
0x302: {  	s4 =	sadd.s32 $0xFFFFFFFF, s4;
	[sflag:s16] =	ssyncadd.s32 $0xFFFF8000  }
0x303: {  	_ =	sfence.sel $0x180000  }
0x304: {  	[bflag:$0x0] =	sbarrier.arrive $0xFFFF  }
0x305: {  	_ =	strace $0x90000047  }
0x306: {  	s0 =	stileid.u32;
	[bflag:$0x2] =	sbarrier.arrive $0xFFFF  }
0x307: {  	p0 =	sne.s32 s0, $0x0;
	s0 =	rddreg [dreg:$0x4]  }
0x308: {  	s0 =	sadd.s32 @!p0 $0x100000, s0  }
0x309: {  	[sflag:s0] =	ssyncadd.tile.s32 @!p0 $0x1;
	_ =	shalt  }
.Lfunc_end2:
_tile_overlayer_lowered:
.L_overlay_start_2:
0x30a: {  	(tag) =	ssettag $0x2  }
0x30b: {  	s0 =	rddreg [dreg:$0x0];
	s2 =	stileid.u32  }
0x30c: {  	s1 =	rddreg [dreg:$0x1];
	p0 =	sne.s32 s2, $0x0  }
0x30d: {  	s3 =	rddreg [dreg:$0x2];
	[bflag:$0x3] =	sbarrier.arrive $0xFFFF;
	s2 =	simm.s32 @!p0 $0x1C07  }
0x30e: {  	[timem:s3], [sflag:s2] =	dma.local @!p0 [hbm:s0], s1  }
0x30f: {  	s0 =	simm.s32 @!p0 $0x7  }
0x310: {  	_ =	swait.ge @!p0 [sflag:s0], s1  }
0x311: {  	s1 =	ssub.s32 @!p0 $0x0, s1;
	[sflag:s0] =	ssyncset.done @!p0 $0x0  }
0x312: {  	[sflag:s0] =	ssyncadd.s32 @!p0 s1  }
0x313: {  	[bflag:$0x3] =	sbarrier.arrive $0xFFFF  }
0x314: {  	_ =	shalt  }

</sc_bundles>
